<compile_context>
chip_gen: v7x
topology: tpu7x:2x2x1
jax: 0.10.2.dev20260603
libtpu: 0.0.44.dev20260713+nightly
codegen_flags: <defaults>
</compile_context>

<pallas_src>
import jax
import jax.numpy as jnp
from jax import lax
from jax.experimental import pallas as pl
from jax.experimental.pallas import tpu as pltpu
from jax.experimental.pallas import tpu_sc as plsc

N = 10000
E = 320000
D = 128
G = 64

NC = 2
NS = 16
NW = NC * NS
K = 128
CPW = 79
EPW = CPW * K
EP = NW * EPW
NPAD = 10240
RZ = NPAD // NS

R = 1000
GR = N // R



def _deg_body(dst_hbm, ones_hbm, zeros_hbm, out_hbm, idx_v, ones_v, acc):
    c = lax.axis_index("c")
    s = lax.axis_index("s")
    wid = c * NS + s
    r0 = s * RZ
    pltpu.sync_copy(zeros_hbm.at[pl.ds(r0, RZ)], acc.at[pl.ds(r0, RZ)])
    pltpu.sync_copy(ones_hbm, ones_v)
    plsc.subcore_barrier()
    base = wid * EPW

    @pl.loop(0, CPW)
    def _(i):
        pltpu.sync_copy(dst_hbm.at[pl.ds(base + i * K, K)], idx_v)
        pltpu.sync_copy(ones_v, acc.at[idx_v], add=True)

    plsc.subcore_barrier()
    pltpu.sync_copy(acc.at[pl.ds(r0, RZ)], out_hbm.at[c, pl.ds(r0, RZ)])


def _agg_body(src_hbm, dst_hbm, y_hbm, zeros_hbm, out_hbm,
              sidx0, didx0, sidx1, didx1, buf0, buf1, acc, gsem):
    c = lax.axis_index("c")
    s = lax.axis_index("s")
    wid = c * NS + s
    r0 = s * RZ
    pltpu.sync_copy(zeros_hbm.at[pl.ds(r0, RZ)], acc.at[pl.ds(r0, RZ)])
    plsc.subcore_barrier()
    base = wid * EPW

    def load_idx(i, sv, dv):
        pltpu.sync_copy(src_hbm.at[pl.ds(base + i * K, K)], sv)
        pltpu.sync_copy(dst_hbm.at[pl.ds(base + i * K, K)], dv)

    def gather_start(sv, buf):
        pltpu.async_copy(y_hbm.at[sv], buf, gsem)

    def gather_wait(buf):
        pltpu.make_async_copy(y_hbm.at[sidx0], buf, gsem).wait()

    load_idx(0, sidx0, didx0)
    gather_start(sidx0, buf0)

    @pl.loop(0, (CPW - 1) // 2)
    def _(p):
        load_idx(2 * p + 1, sidx1, didx1)
        gather_wait(buf0)
        gather_start(sidx1, buf1)
        pltpu.sync_copy(buf0, acc.at[didx0], add=True)
        load_idx(2 * p + 2, sidx0, didx0)
        gather_wait(buf1)
        gather_start(sidx0, buf0)
        pltpu.sync_copy(buf1, acc.at[didx1], add=True)

    gather_wait(buf0)
    pltpu.sync_copy(buf0, acc.at[didx0], add=True)

    plsc.subcore_barrier()
    pltpu.sync_copy(acc.at[pl.ds(r0, RZ)], out_hbm.at[c, pl.ds(r0, RZ)])



def _mm1_body(x_ref, w_ref, dinv_ref, o_ref):
    o_ref[...] = dinv_ref[...] * jnp.dot(
        x_ref[...], w_ref[...], preferred_element_type=jnp.float32)


def _mm2_body(z_ref, y1_ref, dinv_ref, b_ref, w_ref, o_ref):
    pre = dinv_ref[...] * (z_ref[0] + z_ref[1] + y1_ref[...]) + b_ref[...]
    h = jnp.maximum(pre, 0.0)
    o_ref[...] = dinv_ref[...] * jnp.dot(
        h, w_ref[...], preferred_element_type=jnp.float32)


def _pool_body(z_ref, y2_ref, dinv_ref, b_ref, batch_ref, o_ref, acc, cnt):
    i = pl.program_id(0)

    @pl.when(i == 0)
    def _():
        acc[...] = jnp.zeros_like(acc)
        cnt[...] = jnp.zeros_like(cnt)

    h = dinv_ref[...] * (z_ref[0] + z_ref[1] + y2_ref[...]) + b_ref[...]
    b_row = batch_ref[0]
    ids = lax.broadcasted_iota(jnp.int32, (128, R), 0)
    mask = (b_row == ids).astype(jnp.float32)
    acc[...] += lax.dot_general(
        mask, h, (((1,), (0,)), ((), ())), preferred_element_type=jnp.float32)
    cnt[...] += lax.dot_general(
        mask, jnp.ones((R, 1), jnp.float32), (((1,), (0,)), ((), ())),
        preferred_element_type=jnp.float32)

    @pl.when(i == GR - 1)
    def _():
        o_ref[...] = acc[:G, :] / jnp.maximum(cnt[:G, :], 1.0)


def _make_kernels(interpret=False):
    mesh = plsc.VectorSubcoreMesh(
        core_axis_name="c", subcore_axis_name="s",
        num_cores=NC, num_subcores=NS)

    deg = pl.kernel(
        _deg_body,
        out_type=jax.ShapeDtypeStruct((NC, NPAD, D), jnp.float32),
        mesh=mesh,
        scratch_types=[
            pltpu.VMEM((K,), jnp.int32),
            pltpu.VMEM((K, D), jnp.float32),
            pltpu.VMEM_SHARED((NPAD, D), jnp.float32),
        ],
        interpret=interpret,
    )

    agg = pl.kernel(
        _agg_body,
        out_type=jax.ShapeDtypeStruct((NC, NPAD, D), jnp.float32),
        mesh=mesh,
        scratch_types=[
            pltpu.VMEM((K,), jnp.int32),
            pltpu.VMEM((K,), jnp.int32),
            pltpu.VMEM((K,), jnp.int32),
            pltpu.VMEM((K,), jnp.int32),
            pltpu.VMEM((K, D), jnp.float32),
            pltpu.VMEM((K, D), jnp.float32),
            pltpu.VMEM_SHARED((NPAD, D), jnp.float32),
            pltpu.SemaphoreType.DMA,
        ],
        interpret=interpret,
    )

    mm1 = pl.pallas_call(
        _mm1_body,
        grid=(GR,),
        in_specs=[
            pl.BlockSpec((R, D), lambda i: (i, 0)),
            pl.BlockSpec((D, D), lambda i: (0, 0)),
            pl.BlockSpec((R, 1), lambda i: (i, 0)),
        ],
        out_specs=pl.BlockSpec((R, D), lambda i: (i, 0)),
        out_shape=jax.ShapeDtypeStruct((N, D), jnp.float32),
        interpret=interpret,
    )

    mm2 = pl.pallas_call(
        _mm2_body,
        grid=(GR,),
        in_specs=[
            pl.BlockSpec((NC, R, D), lambda i: (0, i, 0)),
            pl.BlockSpec((R, D), lambda i: (i, 0)),
            pl.BlockSpec((R, 1), lambda i: (i, 0)),
            pl.BlockSpec((1, D), lambda i: (0, 0)),
            pl.BlockSpec((D, D), lambda i: (0, 0)),
        ],
        out_specs=pl.BlockSpec((R, D), lambda i: (i, 0)),
        out_shape=jax.ShapeDtypeStruct((N, D), jnp.float32),
        interpret=interpret,
    )

    pool = pl.pallas_call(
        _pool_body,
        grid=(GR,),
        in_specs=[
            pl.BlockSpec((NC, R, D), lambda i: (0, i, 0)),
            pl.BlockSpec((R, D), lambda i: (i, 0)),
            pl.BlockSpec((R, 1), lambda i: (i, 0)),
            pl.BlockSpec((1, D), lambda i: (0, 0)),
            pl.BlockSpec((1, 1, R), lambda i: (i, 0, 0)),
        ],
        out_specs=pl.BlockSpec((G, D), lambda i: (0, 0)),
        out_shape=jax.ShapeDtypeStruct((G, D), jnp.float32),
        scratch_shapes=[
            pltpu.VMEM((128, D), jnp.float32),
            pltpu.VMEM((128, 1), jnp.float32),
        ],
        interpret=interpret,
    )

    return deg, agg, mm1, mm2, pool


_DEG, _AGG, _MM1, _MM2, _POOL = _make_kernels()


def kernel(x, edge_index, batch, W1, b1, W2, b2):
    src = edge_index[0]
    dst = edge_index[1]
    padn = EP - E
    src_p = jnp.concatenate([src, jnp.zeros((padn,), jnp.int32)])
    dst_p = jnp.concatenate([dst, jnp.full((padn,), N, jnp.int32)])
    zeros128 = jnp.zeros((NPAD, D), jnp.float32)
    ones128 = jnp.ones((K, D), jnp.float32)

    degp = _DEG(dst_p, ones128, zeros128)
    deg = degp[0, :N, 0] + degp[1, :N, 0] + 1.0
    dinv = lax.rsqrt(deg).reshape(N, 1)

    y1 = _MM1(x, W1, dinv)
    zp1 = _AGG(src_p, dst_p, y1, zeros128)
    y2 = _MM2(zp1, y1, dinv, b1.reshape(1, D), W2)
    zp2 = _AGG(src_p, dst_p, y2, zeros128)
    return _POOL(zp2, y2, dinv, b2.reshape(1, D), batch.reshape(GR, 1, R))

# --- scband reference (transcript-rebuilt; emitter-appended) ---
"""Pipeline reference for scband-gcn-309237645608 (READ-ONLY COPY).

The authoritative reference and input builder live on the scoring server;
editing this copy changes nothing except your own understanding.
"""

import jax, jax.numpy as jnp
import numpy as np

N = 10000
E = 320000
D_IN = 128
D_HID = 128
D_OUT = 128
NUM_GRAPHS = 64


def gcn_conv(x, edge_index, W, b, num_nodes):
    # linear transform first (PyG GCNConv default)
    x = x @ W
    src = edge_index[0]
    dst = edge_index[1]
    # add self loops
    loop = jnp.arange(num_nodes, dtype=src.dtype)
    src = jnp.concatenate([src, loop])
    dst = jnp.concatenate([dst, loop])
    # symmetric normalization D^{-1/2} (A+I) D^{-1/2}
    deg = jnp.zeros((num_nodes,), dtype=x.dtype).at[dst].add(1.0)
    dinv = jnp.where(deg > 0, jax.lax.rsqrt(jnp.maximum(deg, 1e-12)), 0.0)
    norm = dinv[src] * dinv[dst]
    msg = x[src] * norm[:, None]
    out = jnp.zeros((num_nodes, x.shape[1]), dtype=x.dtype).at[dst].add(msg)
    return out + b


def global_mean_pool(x, batch, num_graphs):
    s = jax.ops.segment_sum(x, batch, num_segments=num_graphs)
    cnt = jax.ops.segment_sum(jnp.ones((x.shape[0],), dtype=x.dtype), batch, num_segments=num_graphs)
    return s / jnp.maximum(cnt, 1.0)[:, None]


def setup_inputs(seed: int = 0):
    key = jax.random.key(seed)
    ks = jax.random.split(key, 8)
    x = jax.random.normal(ks[0], (N, D_IN), dtype=jnp.float32)
    edge_index = jax.random.randint(ks[1], (2, E), 0, N, dtype=jnp.int32)
    batch = jnp.sort(jax.random.randint(ks[2], (N,), 0, NUM_GRAPHS, dtype=jnp.int32))
    W1 = jax.random.normal(ks[3], (D_IN, D_HID), dtype=jnp.float32) * (1.0 / np.sqrt(D_IN))
    b1 = jnp.zeros((D_HID,), dtype=jnp.float32)
    W2 = jax.random.normal(ks[4], (D_HID, D_OUT), dtype=jnp.float32) * (1.0 / np.sqrt(D_HID))
    b2 = jnp.zeros((D_OUT,), dtype=jnp.float32)
    return {"x": x, "edge_index": edge_index, "batch": batch, "W1": W1, "b1": b1, "W2": W2, "b2": b2}


def reference(x, edge_index, batch, W1, b1, W2, b2):
    h = gcn_conv(x, edge_index, W1, b1, N)
    h = jax.nn.relu(h)
    h = gcn_conv(h, edge_index, W2, b2, N)
    return global_mean_pool(h, batch, NUM_GRAPHS)

if __name__ == "__main__":
    import jax
    _d = setup_inputs()
    print(jax.jit(kernel)(*tuple(_d.values())))

</pallas_src>

<mosaic_0001>
#map = affine_map<(d0, d1) -> (0)>
#map1 = affine_map<(d0, d1) -> (0, 0)>
#map2 = affine_map<(d0, d1) -> (0, 0, 0)>
module attributes {stable_mosaic.version = 14 : i64} {
  func.func @_agg_body(%arg0: i32, %arg1: i32, %arg2: memref<323584xi32, #tpu.memory_space<hbm>>, %arg3: memref<323584xi32, #tpu.memory_space<hbm>>, %arg4: memref<10000x128xf32, #tpu.memory_space<hbm>>, %arg5: memref<10240x128xf32, #tpu.memory_space<hbm>>, %arg6: memref<2x10240x128xf32, #tpu.memory_space<hbm>>, %arg7: memref<128xi32, #tpu.memory_space<vmem>>, %arg8: memref<128xi32, #tpu.memory_space<vmem>>, %arg9: memref<128xi32, #tpu.memory_space<vmem>>, %arg10: memref<128xi32, #tpu.memory_space<vmem>>, %arg11: memref<128x128xf32, #tpu.memory_space<vmem>>, %arg12: memref<128x128xf32, #tpu.memory_space<vmem>>, %arg13: memref<10240x128xf32, #tpu.memory_space<vmem_shared>>, %arg14: memref<!tpu.dma_semaphore, #tpu.memory_space<semaphore_mem>>) attributes {dimension_semantics = [#tpu.dimension_semantics<core_parallel>, #tpu.dimension_semantics<subcore_parallel>], iteration_bounds = array<i64: 2, 16>, scalar_prefetch = 0 : i64, scratch_operands = 8 : i64, tpu.core_type = #tpu.core_type<sc_vector_subcore>, window_params = [{transform_indices = #map}, {transform_indices = #map}, {transform_indices = #map1}, {transform_indices = #map1}, {transform_indices = #map2}]} {
    %mul3A = arith.constant 16 : i32
    %mul3A_0 = arith.muli %arg0, %mul3A : i32
    %add3A = arith.addi %mul3A_0, %arg1 : i32
    %mul3A_1 = arith.constant 640 : i32
    %mul3A_2 = arith.muli %arg1, %mul3A_1 : i32
    "tpu.region"() ({
      %run_scoped3A = tpu.sem_alloc : memref<!tpu.dma_semaphore, #tpu.memory_space<semaphore_mem>>
      %dma_start3A_18 = arith.constant 0 : i32
      %dma_start3A_19 = tpu.memref_slice %arg13[%mul3A_2, %dma_start3A_18] : memref<10240x128xf32, #tpu.memory_space<vmem_shared>> -> memref<640x128xf32, #tpu.memory_space<vmem_shared>>
      %dma_start3A_20 = arith.constant 0 : i32
      %dma_start3A_21 = tpu.memref_slice %arg5[%mul3A_2, %dma_start3A_20] : memref<10240x128xf32, #tpu.memory_space<hbm>> -> memref<640x128xf32, #tpu.memory_space<hbm>>
      tpu.enqueue_dma source(%dma_start3A_21 : memref<640x128xf32, #tpu.memory_space<hbm>>) target(%dma_start3A_19 : memref<640x128xf32, #tpu.memory_space<vmem_shared>>) target_semaphore(%run_scoped3A : memref<!tpu.dma_semaphore, #tpu.memory_space<semaphore_mem>>)
      %dma_wait3A_22 = arith.constant 0 : i32
      %dma_wait3A_23 = tpu.memref_slice %arg13[%mul3A_2, %dma_wait3A_22] : memref<10240x128xf32, #tpu.memory_space<vmem_shared>> -> memref<640x128xf32, #tpu.memory_space<vmem_shared>>
      %dma_wait3A_24 = arith.constant 0 : i32
      %dma_wait3A_25 = tpu.memref_slice %arg5[%mul3A_2, %dma_wait3A_24] : memref<10240x128xf32, #tpu.memory_space<hbm>> -> memref<640x128xf32, #tpu.memory_space<hbm>>
      tpu.wait_dma2 semaphore(%run_scoped3A : memref<!tpu.dma_semaphore, #tpu.memory_space<semaphore_mem>>) src(%dma_wait3A_25 : memref<640x128xf32, #tpu.memory_space<hbm>>) dst(%dma_wait3A_23 : memref<640x128xf32, #tpu.memory_space<vmem_shared>>)
      tpu.yield
    }) : () -> ()
    %barrier3A = arith.constant 0 : index
    tpu.barrier barrier_id(%barrier3A)
    %mul3A_3 = arith.constant 10112 : i32
    %mul3A_4 = arith.muli %add3A, %mul3A_3 : i32
    %add3A_5 = arith.constant 0 : i32
    %add3A_6 = arith.addi %mul3A_4, %add3A_5 : i32
    "tpu.region"() ({
      %run_scoped3A = tpu.sem_alloc : memref<!tpu.dma_semaphore, #tpu.memory_space<semaphore_mem>>
      %dma_start3A_18 = tpu.memref_slice %arg2[%add3A_6] : memref<323584xi32, #tpu.memory_space<hbm>> -> memref<128xi32, #tpu.memory_space<hbm>>
      %dma_start3A_19 = tpu.memref_slice %arg2[%add3A_6] : memref<323584xi32, #tpu.memory_space<hbm>> -> memref<128xi32, #tpu.memory_space<hbm>>
      tpu.enqueue_dma source(%dma_start3A_19 : memref<128xi32, #tpu.memory_space<hbm>>) target(%arg7 : memref<128xi32, #tpu.memory_space<vmem>>) target_semaphore(%run_scoped3A : memref<!tpu.dma_semaphore, #tpu.memory_space<semaphore_mem>>)
      %dma_wait3A_20 = tpu.memref_slice %arg2[%add3A_6] : memref<323584xi32, #tpu.memory_space<hbm>> -> memref<128xi32, #tpu.memory_space<hbm>>
      %dma_wait3A_21 = tpu.memref_slice %arg2[%add3A_6] : memref<323584xi32, #tpu.memory_space<hbm>> -> memref<128xi32, #tpu.memory_space<hbm>>
      tpu.wait_dma2 semaphore(%run_scoped3A : memref<!tpu.dma_semaphore, #tpu.memory_space<semaphore_mem>>) src(%dma_wait3A_21 : memref<128xi32, #tpu.memory_space<hbm>>) dst(%arg7 : memref<128xi32, #tpu.memory_space<vmem>>)
      tpu.yield
    }) : () -> ()
    %add3A_7 = arith.constant 0 : i32
    %add3A_8 = arith.addi %mul3A_4, %add3A_7 : i32
    "tpu.region"() ({
      %run_scoped3A = tpu.sem_alloc : memref<!tpu.dma_semaphore, #tpu.memory_space<semaphore_mem>>
      %dma_start3A_18 = tpu.memref_slice %arg3[%add3A_8] : memref<323584xi32, #tpu.memory_space<hbm>> -> memref<128xi32, #tpu.memory_space<hbm>>
      %dma_start3A_19 = tpu.memref_slice %arg3[%add3A_8] : memref<323584xi32, #tpu.memory_space<hbm>> -> memref<128xi32, #tpu.memory_space<hbm>>
      tpu.enqueue_dma source(%dma_start3A_19 : memref<128xi32, #tpu.memory_space<hbm>>) target(%arg8 : memref<128xi32, #tpu.memory_space<vmem>>) target_semaphore(%run_scoped3A : memref<!tpu.dma_semaphore, #tpu.memory_space<semaphore_mem>>)
      %dma_wait3A_20 = tpu.memref_slice %arg3[%add3A_8] : memref<323584xi32, #tpu.memory_space<hbm>> -> memref<128xi32, #tpu.memory_space<hbm>>
      %dma_wait3A_21 = tpu.memref_slice %arg3[%add3A_8] : memref<323584xi32, #tpu.memory_space<hbm>> -> memref<128xi32, #tpu.memory_space<hbm>>
      tpu.wait_dma2 semaphore(%run_scoped3A : memref<!tpu.dma_semaphore, #tpu.memory_space<semaphore_mem>>) src(%dma_wait3A_21 : memref<128xi32, #tpu.memory_space<hbm>>) dst(%arg8 : memref<128xi32, #tpu.memory_space<vmem>>)
      tpu.yield
    }) : () -> ()
    %dma_start3A = arith.constant 0 : i32
    %dma_start3A_9 = arith.constant 0 : i32
    %dma_start3A_10 = tpu.memref_slice %arg4[%dma_start3A, %dma_start3A_9] : memref<10000x128xf32, #tpu.memory_space<hbm>> -> memref<10000x128xf32, #tpu.memory_space<hbm>>
    tpu.enqueue_indirect_dma source(%dma_start3A_10 : memref<10000x128xf32, #tpu.memory_space<hbm>>) target(%arg11 : memref<128x128xf32, #tpu.memory_space<vmem>>) offsets(%arg7 : memref<128xi32, #tpu.memory_space<vmem>>) semaphore(%arg14 : memref<!tpu.dma_semaphore, #tpu.memory_space<semaphore_mem>>)
    %scan3A = arith.constant 0 : i32
    %scan3A_11 = arith.constant 39 : i32
    %scan3A_12 = arith.addi %scan3A, %scan3A_11 : i32
    %scan3A_13 = arith.constant 1 : i32
    scf.for %scan3A_18 = %scan3A to %scan3A_12 step %scan3A_13  : i32 {
      %mul3A_19 = arith.constant 1 : i32
      %mul3A_20 = arith.muli %scan3A_18, %mul3A_19 : i32
      %add3A_21 = arith.constant 0 : i32
      %add3A_22 = arith.addi %add3A_21, %mul3A_20 : i32
      %mul3A_23 = arith.constant 2 : i32
      %mul3A_24 = arith.muli %mul3A_23, %add3A_22 : i32
      %add3A_25 = arith.constant 1 : i32
      %add3A_26 = arith.addi %mul3A_24, %add3A_25 : i32
      %mul3A_27 = arith.constant 128 : i32
      %mul3A_28 = arith.muli %add3A_26, %mul3A_27 : i32
      %add3A_29 = arith.addi %mul3A_4, %mul3A_28 : i32
      "tpu.region"() ({
        %run_scoped3A = tpu.sem_alloc : memref<!tpu.dma_semaphore, #tpu.memory_space<semaphore_mem>>
        %dma_start3A_55 = tpu.memref_slice %arg2[%add3A_29] : memref<323584xi32, #tpu.memory_space<hbm>> -> memref<128xi32, #tpu.memory_space<hbm>>
        %dma_start3A_56 = tpu.memref_slice %arg2[%add3A_29] : memref<323584xi32, #tpu.memory_space<hbm>> -> memref<128xi32, #tpu.memory_space<hbm>>
        tpu.enqueue_dma source(%dma_start3A_56 : memref<128xi32, #tpu.memory_space<hbm>>) target(%arg9 : memref<128xi32, #tpu.memory_space<vmem>>) target_semaphore(%run_scoped3A : memref<!tpu.dma_semaphore, #tpu.memory_space<semaphore_mem>>)
        %dma_wait3A_57 = tpu.memref_slice %arg2[%add3A_29] : memref<323584xi32, #tpu.memory_space<hbm>> -> memref<128xi32, #tpu.memory_space<hbm>>
        %dma_wait3A_58 = tpu.memref_slice %arg2[%add3A_29] : memref<323584xi32, #tpu.memory_space<hbm>> -> memref<128xi32, #tpu.memory_space<hbm>>
        tpu.wait_dma2 semaphore(%run_scoped3A : memref<!tpu.dma_semaphore, #tpu.memory_space<semaphore_mem>>) src(%dma_wait3A_58 : memref<128xi32, #tpu.memory_space<hbm>>) dst(%arg9 : memref<128xi32, #tpu.memory_space<vmem>>)
        tpu.yield
      }) : () -> ()
      %mul3A_30 = arith.constant 128 : i32
      %mul3A_31 = arith.muli %add3A_26, %mul3A_30 : i32
      %add3A_32 = arith.addi %mul3A_4, %mul3A_31 : i32
      "tpu.region"() ({
        %run_scoped3A = tpu.sem_alloc : memref<!tpu.dma_semaphore, #tpu.memory_space<semaphore_mem>>
        %dma_start3A_55 = tpu.memref_slice %arg3[%add3A_32] : memref<323584xi32, #tpu.memory_space<hbm>> -> memref<128xi32, #tpu.memory_space<hbm>>
        %dma_start3A_56 = tpu.memref_slice %arg3[%add3A_32] : memref<323584xi32, #tpu.memory_space<hbm>> -> memref<128xi32, #tpu.memory_space<hbm>>
        tpu.enqueue_dma source(%dma_start3A_56 : memref<128xi32, #tpu.memory_space<hbm>>) target(%arg10 : memref<128xi32, #tpu.memory_space<vmem>>) target_semaphore(%run_scoped3A : memref<!tpu.dma_semaphore, #tpu.memory_space<semaphore_mem>>)
        %dma_wait3A_57 = tpu.memref_slice %arg3[%add3A_32] : memref<323584xi32, #tpu.memory_space<hbm>> -> memref<128xi32, #tpu.memory_space<hbm>>
        %dma_wait3A_58 = tpu.memref_slice %arg3[%add3A_32] : memref<323584xi32, #tpu.memory_space<hbm>> -> memref<128xi32, #tpu.memory_space<hbm>>
        tpu.wait_dma2 semaphore(%run_scoped3A : memref<!tpu.dma_semaphore, #tpu.memory_space<semaphore_mem>>) src(%dma_wait3A_58 : memref<128xi32, #tpu.memory_space<hbm>>) dst(%arg10 : memref<128xi32, #tpu.memory_space<vmem>>)
        tpu.yield
      }) : () -> ()
      %dma_wait3A_33 = arith.constant 0 : i32
      %dma_wait3A_34 = arith.constant 0 : i32
      %dma_wait3A_35 = tpu.memref_slice %arg4[%dma_wait3A_33, %dma_wait3A_34] : memref<10000x128xf32, #tpu.memory_space<hbm>> -> memref<10000x128xf32, #tpu.memory_space<hbm>>
      tpu.wait_indirect_dma semaphore(%arg14 : memref<!tpu.dma_semaphore, #tpu.memory_space<semaphore_mem>>) src(%dma_wait3A_35 : memref<10000x128xf32, #tpu.memory_space<hbm>>) dst(%arg11 : memref<128x128xf32, #tpu.memory_space<vmem>>)
      %dma_start3A_36 = arith.constant 0 : i32
      %dma_start3A_37 = arith.constant 0 : i32
      %dma_start3A_38 = tpu.memref_slice %arg4[%dma_start3A_36, %dma_start3A_37] : memref<10000x128xf32, #tpu.memory_space<hbm>> -> memref<10000x128xf32, #tpu.memory_space<hbm>>
      tpu.enqueue_indirect_dma source(%dma_start3A_38 : memref<10000x128xf32, #tpu.memory_space<hbm>>) target(%arg12 : memref<128x128xf32, #tpu.memory_space<vmem>>) offsets(%arg9 : memref<128xi32, #tpu.memory_space<vmem>>) semaphore(%arg14 : memref<!tpu.dma_semaphore, #tpu.memory_space<semaphore_mem>>)
      "tpu.region"() ({
        %run_scoped3A = tpu.sem_alloc : memref<!tpu.dma_semaphore, #tpu.memory_space<semaphore_mem>>
        %dma_start3A_55 = arith.constant 0 : i32
        %dma_start3A_56 = arith.constant 0 : i32
        %dma_start3A_57 = tpu.memref_slice %arg13[%dma_start3A_55, %dma_start3A_56] : memref<10240x128xf32, #tpu.memory_space<vmem_shared>> -> memref<10240x128xf32, #tpu.memory_space<vmem_shared>>
        tpu.enqueue_indirect_dma source(%arg11 : memref<128x128xf32, #tpu.memory_space<vmem>>) target(%dma_start3A_57 : memref<10240x128xf32, #tpu.memory_space<vmem_shared>>) offsets(%arg8 : memref<128xi32, #tpu.memory_space<vmem>>) semaphore(%run_scoped3A : memref<!tpu.dma_semaphore, #tpu.memory_space<semaphore_mem>>) {add = true}
        %dma_wait3A_58 = arith.constant 0 : i32
        %dma_wait3A_59 = arith.constant 0 : i32
        %dma_wait3A_60 = tpu.memref_slice %arg13[%dma_wait3A_58, %dma_wait3A_59] : memref<10240x128xf32, #tpu.memory_space<vmem_shared>> -> memref<10240x128xf32, #tpu.memory_space<vmem_shared>>
        tpu.wait_indirect_dma semaphore(%run_scoped3A : memref<!tpu.dma_semaphore, #tpu.memory_space<semaphore_mem>>) src(%arg11 : memref<128x128xf32, #tpu.memory_space<vmem>>) dst(%dma_wait3A_60 : memref<10240x128xf32, #tpu.memory_space<vmem_shared>>)
        tpu.yield
      }) : () -> ()
      %mul3A_39 = arith.constant 2 : i32
      %mul3A_40 = arith.muli %mul3A_39, %add3A_22 : i32
      %add3A_41 = arith.constant 2 : i32
      %add3A_42 = arith.addi %mul3A_40, %add3A_41 : i32
      %mul3A_43 = arith.constant 128 : i32
      %mul3A_44 = arith.muli %add3A_42, %mul3A_43 : i32
      %add3A_45 = arith.addi %mul3A_4, %mul3A_44 : i32
      "tpu.region"() ({
        %run_scoped3A = tpu.sem_alloc : memref<!tpu.dma_semaphore, #tpu.memory_space<semaphore_mem>>
        %dma_start3A_55 = tpu.memref_slice %arg2[%add3A_45] : memref<323584xi32, #tpu.memory_space<hbm>> -> memref<128xi32, #tpu.memory_space<hbm>>
        %dma_start3A_56 = tpu.memref_slice %arg2[%add3A_45] : memref<323584xi32, #tpu.memory_space<hbm>> -> memref<128xi32, #tpu.memory_space<hbm>>
        tpu.enqueue_dma source(%dma_start3A_56 : memref<128xi32, #tpu.memory_space<hbm>>) target(%arg7 : memref<128xi32, #tpu.memory_space<vmem>>) target_semaphore(%run_scoped3A : memref<!tpu.dma_semaphore, #tpu.memory_space<semaphore_mem>>)
        %dma_wait3A_57 = tpu.memref_slice %arg2[%add3A_45] : memref<323584xi32, #tpu.memory_space<hbm>> -> memref<128xi32, #tpu.memory_space<hbm>>
        %dma_wait3A_58 = tpu.memref_slice %arg2[%add3A_45] : memref<323584xi32, #tpu.memory_space<hbm>> -> memref<128xi32, #tpu.memory_space<hbm>>
        tpu.wait_dma2 semaphore(%run_scoped3A : memref<!tpu.dma_semaphore, #tpu.memory_space<semaphore_mem>>) src(%dma_wait3A_58 : memref<128xi32, #tpu.memory_space<hbm>>) dst(%arg7 : memref<128xi32, #tpu.memory_space<vmem>>)
        tpu.yield
      }) : () -> ()
      %mul3A_46 = arith.constant 128 : i32
      %mul3A_47 = arith.muli %add3A_42, %mul3A_46 : i32
      %add3A_48 = arith.addi %mul3A_4, %mul3A_47 : i32
      "tpu.region"() ({
        %run_scoped3A = tpu.sem_alloc : memref<!tpu.dma_semaphore, #tpu.memory_space<semaphore_mem>>
        %dma_start3A_55 = tpu.memref_slice %arg3[%add3A_48] : memref<323584xi32, #tpu.memory_space<hbm>> -> memref<128xi32, #tpu.memory_space<hbm>>
        %dma_start3A_56 = tpu.memref_slice %arg3[%add3A_48] : memref<323584xi32, #tpu.memory_space<hbm>> -> memref<128xi32, #tpu.memory_space<hbm>>
        tpu.enqueue_dma source(%dma_start3A_56 : memref<128xi32, #tpu.memory_space<hbm>>) target(%arg8 : memref<128xi32, #tpu.memory_space<vmem>>) target_semaphore(%run_scoped3A : memref<!tpu.dma_semaphore, #tpu.memory_space<semaphore_mem>>)
        %dma_wait3A_57 = tpu.memref_slice %arg3[%add3A_48] : memref<323584xi32, #tpu.memory_space<hbm>> -> memref<128xi32, #tpu.memory_space<hbm>>
        %dma_wait3A_58 = tpu.memref_slice %arg3[%add3A_48] : memref<323584xi32, #tpu.memory_space<hbm>> -> memref<128xi32, #tpu.memory_space<hbm>>
        tpu.wait_dma2 semaphore(%run_scoped3A : memref<!tpu.dma_semaphore, #tpu.memory_space<semaphore_mem>>) src(%dma_wait3A_58 : memref<128xi32, #tpu.memory_space<hbm>>) dst(%arg8 : memref<128xi32, #tpu.memory_space<vmem>>)
        tpu.yield
      }) : () -> ()
      %dma_wait3A_49 = arith.constant 0 : i32
      %dma_wait3A_50 = arith.constant 0 : i32
      %dma_wait3A_51 = tpu.memref_slice %arg4[%dma_wait3A_49, %dma_wait3A_50] : memref<10000x128xf32, #tpu.memory_space<hbm>> -> memref<10000x128xf32, #tpu.memory_space<hbm>>
      tpu.wait_indirect_dma semaphore(%arg14 : memref<!tpu.dma_semaphore, #tpu.memory_space<semaphore_mem>>) src(%dma_wait3A_51 : memref<10000x128xf32, #tpu.memory_space<hbm>>) dst(%arg12 : memref<128x128xf32, #tpu.memory_space<vmem>>)
      %dma_start3A_52 = arith.constant 0 : i32
      %dma_start3A_53 = arith.constant 0 : i32
      %dma_start3A_54 = tpu.memref_slice %arg4[%dma_start3A_52, %dma_start3A_53] : memref<10000x128xf32, #tpu.memory_space<hbm>> -> memref<10000x128xf32, #tpu.memory_space<hbm>>
      tpu.enqueue_indirect_dma source(%dma_start3A_54 : memref<10000x128xf32, #tpu.memory_space<hbm>>) target(%arg11 : memref<128x128xf32, #tpu.memory_space<vmem>>) offsets(%arg7 : memref<128xi32, #tpu.memory_space<vmem>>) semaphore(%arg14 : memref<!tpu.dma_semaphore, #tpu.memory_space<semaphore_mem>>)
      "tpu.region"() ({
        %run_scoped3A = tpu.sem_alloc : memref<!tpu.dma_semaphore, #tpu.memory_space<semaphore_mem>>
        %dma_start3A_55 = arith.constant 0 : i32
        %dma_start3A_56 = arith.constant 0 : i32
        %dma_start3A_57 = tpu.memref_slice %arg13[%dma_start3A_55, %dma_start3A_56] : memref<10240x128xf32, #tpu.memory_space<vmem_shared>> -> memref<10240x128xf32, #tpu.memory_space<vmem_shared>>
        tpu.enqueue_indirect_dma source(%arg12 : memref<128x128xf32, #tpu.memory_space<vmem>>) target(%dma_start3A_57 : memref<10240x128xf32, #tpu.memory_space<vmem_shared>>) offsets(%arg10 : memref<128xi32, #tpu.memory_space<vmem>>) semaphore(%run_scoped3A : memref<!tpu.dma_semaphore, #tpu.memory_space<semaphore_mem>>) {add = true}
        %dma_wait3A_58 = arith.constant 0 : i32
        %dma_wait3A_59 = arith.constant 0 : i32
        %dma_wait3A_60 = tpu.memref_slice %arg13[%dma_wait3A_58, %dma_wait3A_59] : memref<10240x128xf32, #tpu.memory_space<vmem_shared>> -> memref<10240x128xf32, #tpu.memory_space<vmem_shared>>
        tpu.wait_indirect_dma semaphore(%run_scoped3A : memref<!tpu.dma_semaphore, #tpu.memory_space<semaphore_mem>>) src(%arg12 : memref<128x128xf32, #tpu.memory_space<vmem>>) dst(%dma_wait3A_60 : memref<10240x128xf32, #tpu.memory_space<vmem_shared>>)
        tpu.yield
      }) : () -> ()
    }
    %scan3A_14 = arith.constant 39 : i32
    %dma_wait3A = arith.constant 0 : i32
    %dma_wait3A_15 = arith.constant 0 : i32
    %dma_wait3A_16 = tpu.memref_slice %arg4[%dma_wait3A, %dma_wait3A_15] : memref<10000x128xf32, #tpu.memory_space<hbm>> -> memref<10000x128xf32, #tpu.memory_space<hbm>>
    tpu.wait_indirect_dma semaphore(%arg14 : memref<!tpu.dma_semaphore, #tpu.memory_space<semaphore_mem>>) src(%dma_wait3A_16 : memref<10000x128xf32, #tpu.memory_space<hbm>>) dst(%arg11 : memref<128x128xf32, #tpu.memory_space<vmem>>)
    "tpu.region"() ({
      %run_scoped3A = tpu.sem_alloc : memref<!tpu.dma_semaphore, #tpu.memory_space<semaphore_mem>>
      %dma_start3A_18 = arith.constant 0 : i32
      %dma_start3A_19 = arith.constant 0 : i32
      %dma_start3A_20 = tpu.memref_slice %arg13[%dma_start3A_18, %dma_start3A_19] : memref<10240x128xf32, #tpu.memory_space<vmem_shared>> -> memref<10240x128xf32, #tpu.memory_space<vmem_shared>>
      tpu.enqueue_indirect_dma source(%arg11 : memref<128x128xf32, #tpu.memory_space<vmem>>) target(%dma_start3A_20 : memref<10240x128xf32, #tpu.memory_space<vmem_shared>>) offsets(%arg8 : memref<128xi32, #tpu.memory_space<vmem>>) semaphore(%run_scoped3A : memref<!tpu.dma_semaphore, #tpu.memory_space<semaphore_mem>>) {add = true}
      %dma_wait3A_21 = arith.constant 0 : i32
      %dma_wait3A_22 = arith.constant 0 : i32
      %dma_wait3A_23 = tpu.memref_slice %arg13[%dma_wait3A_21, %dma_wait3A_22] : memref<10240x128xf32, #tpu.memory_space<vmem_shared>> -> memref<10240x128xf32, #tpu.memory_space<vmem_shared>>
      tpu.wait_indirect_dma semaphore(%run_scoped3A : memref<!tpu.dma_semaphore, #tpu.memory_space<semaphore_mem>>) src(%arg11 : memref<128x128xf32, #tpu.memory_space<vmem>>) dst(%dma_wait3A_23 : memref<10240x128xf32, #tpu.memory_space<vmem_shared>>)
      tpu.yield
    }) : () -> ()
    %barrier3A_17 = arith.constant 0 : index
    tpu.barrier barrier_id(%barrier3A_17)
    "tpu.region"() ({
      %run_scoped3A = tpu.sem_alloc : memref<!tpu.dma_semaphore, #tpu.memory_space<semaphore_mem>>
      %dma_start3A_18 = arith.constant 0 : i32
      %dma_start3A_19 = tpu.memref_slice %arg6[%arg0, %mul3A_2, %dma_start3A_18] : memref<2x10240x128xf32, #tpu.memory_space<hbm>> -> memref<1x640x128xf32, #tpu.memory_space<hbm>>
      %dma_start3A_20 = tpu.memref_squeeze %dma_start3A_19 : memref<1x640x128xf32, #tpu.memory_space<hbm>> -> memref<640x128xf32, #tpu.memory_space<hbm>>
      %dma_start3A_21 = arith.constant 0 : i32
      %dma_start3A_22 = tpu.memref_slice %arg13[%mul3A_2, %dma_start3A_21] : memref<10240x128xf32, #tpu.memory_space<vmem_shared>> -> memref<640x128xf32, #tpu.memory_space<vmem_shared>>
      tpu.enqueue_dma source(%dma_start3A_22 : memref<640x128xf32, #tpu.memory_space<vmem_shared>>) target(%dma_start3A_20 : memref<640x128xf32, #tpu.memory_space<hbm>>) target_semaphore(%run_scoped3A : memref<!tpu.dma_semaphore, #tpu.memory_space<semaphore_mem>>)
      %dma_wait3A_23 = arith.constant 0 : i32
      %dma_wait3A_24 = tpu.memref_slice %arg6[%arg0, %mul3A_2, %dma_wait3A_23] : memref<2x10240x128xf32, #tpu.memory_space<hbm>> -> memref<1x640x128xf32, #tpu.memory_space<hbm>>
      %dma_wait3A_25 = tpu.memref_squeeze %dma_wait3A_24 : memref<1x640x128xf32, #tpu.memory_space<hbm>> -> memref<640x128xf32, #tpu.memory_space<hbm>>
      %dma_wait3A_26 = arith.constant 0 : i32
      %dma_wait3A_27 = tpu.memref_slice %arg13[%mul3A_2, %dma_wait3A_26] : memref<10240x128xf32, #tpu.memory_space<vmem_shared>> -> memref<640x128xf32, #tpu.memory_space<vmem_shared>>
      tpu.wait_dma2 semaphore(%run_scoped3A : memref<!tpu.dma_semaphore, #tpu.memory_space<semaphore_mem>>) src(%dma_wait3A_27 : memref<640x128xf32, #tpu.memory_space<vmem_shared>>) dst(%dma_wait3A_25 : memref<640x128xf32, #tpu.memory_space<hbm>>)
      tpu.yield
    }) : () -> ()
    return
  }
}

#map = affine_map<(d0, d1) -> (0)>
#map1 = affine_map<(d0, d1) -> (0, 0)>
#map2 = affine_map<(d0, d1) -> (0, 0, 0)>
module attributes {stable_mosaic.version = 14 : i64} {
  func.func @_agg_body(%arg0: i32, %arg1: i32, %arg2: memref<323584xi32, #tpu.memory_space<hbm>>, %arg3: memref<323584xi32, #tpu.memory_space<hbm>>, %arg4: memref<10000x128xf32, #tpu.memory_space<hbm>>, %arg5: memref<10240x128xf32, #tpu.memory_space<hbm>>, %arg6: memref<2x10240x128xf32, #tpu.memory_space<hbm>>, %arg7: memref<128xi32, #tpu.memory_space<vmem>>, %arg8: memref<128xi32, #tpu.memory_space<vmem>>, %arg9: memref<128xi32, #tpu.memory_space<vmem>>, %arg10: memref<128xi32, #tpu.memory_space<vmem>>, %arg11: memref<128x128xf32, #tpu.memory_space<vmem>>, %arg12: memref<128x128xf32, #tpu.memory_space<vmem>>, %arg13: memref<10240x128xf32, #tpu.memory_space<vmem_shared>>, %arg14: memref<!tpu.dma_semaphore, #tpu.memory_space<semaphore_mem>>) attributes {dimension_semantics = [#tpu.dimension_semantics<core_parallel>, #tpu.dimension_semantics<subcore_parallel>], iteration_bounds = array<i64: 2, 16>, scalar_prefetch = 0 : i64, scratch_operands = 8 : i64, tpu.core_type = #tpu.core_type<sc_vector_subcore>, window_params = [{transform_indices = #map}, {transform_indices = #map}, {transform_indices = #map1}, {transform_indices = #map1}, {transform_indices = #map2}]} {
    %mul3A = arith.constant 16 : i32
    %mul3A_0 = arith.muli %arg0, %mul3A : i32
    %add3A = arith.addi %mul3A_0, %arg1 : i32
    %mul3A_1 = arith.constant 640 : i32
    %mul3A_2 = arith.muli %arg1, %mul3A_1 : i32
    "tpu.region"() ({
      %run_scoped3A = tpu.sem_alloc : memref<!tpu.dma_semaphore, #tpu.memory_space<semaphore_mem>>
      %dma_start3A_18 = arith.constant 0 : i32
      %dma_start3A_19 = tpu.memref_slice %arg13[%mul3A_2, %dma_start3A_18] : memref<10240x128xf32, #tpu.memory_space<vmem_shared>> -> memref<640x128xf32, #tpu.memory_space<vmem_shared>>
      %dma_start3A_20 = arith.constant 0 : i32
      %dma_start3A_21 = tpu.memref_slice %arg5[%mul3A_2, %dma_start3A_20] : memref<10240x128xf32, #tpu.memory_space<hbm>> -> memref<640x128xf32, #tpu.memory_space<hbm>>
      tpu.enqueue_dma source(%dma_start3A_21 : memref<640x128xf32, #tpu.memory_space<hbm>>) target(%dma_start3A_19 : memref<640x128xf32, #tpu.memory_space<vmem_shared>>) target_semaphore(%run_scoped3A : memref<!tpu.dma_semaphore, #tpu.memory_space<semaphore_mem>>)
      %dma_wait3A_22 = arith.constant 0 : i32
      %dma_wait3A_23 = tpu.memref_slice %arg13[%mul3A_2, %dma_wait3A_22] : memref<10240x128xf32, #tpu.memory_space<vmem_shared>> -> memref<640x128xf32, #tpu.memory_space<vmem_shared>>
      %dma_wait3A_24 = arith.constant 0 : i32
      %dma_wait3A_25 = tpu.memref_slice %arg5[%mul3A_2, %dma_wait3A_24] : memref<10240x128xf32, #tpu.memory_space<hbm>> -> memref<640x128xf32, #tpu.memory_space<hbm>>
      tpu.wait_dma2 semaphore(%run_scoped3A : memref<!tpu.dma_semaphore, #tpu.memory_space<semaphore_mem>>) src(%dma_wait3A_25 : memref<640x128xf32, #tpu.memory_space<hbm>>) dst(%dma_wait3A_23 : memref<640x128xf32, #tpu.memory_space<vmem_shared>>)
      tpu.yield
    }) : () -> ()
    %barrier3A = arith.constant 0 : index
    tpu.barrier barrier_id(%barrier3A)
    %mul3A_3 = arith.constant 10112 : i32
    %mul3A_4 = arith.muli %add3A, %mul3A_3 : i32
    %add3A_5 = arith.constant 0 : i32
    %add3A_6 = arith.addi %mul3A_4, %add3A_5 : i32
    "tpu.region"() ({
      %run_scoped3A = tpu.sem_alloc : memref<!tpu.dma_semaphore, #tpu.memory_space<semaphore_mem>>
      %dma_start3A_18 = tpu.memref_slice %arg2[%add3A_6] : memref<323584xi32, #tpu.memory_space<hbm>> -> memref<128xi32, #tpu.memory_space<hbm>>
      %dma_start3A_19 = tpu.memref_slice %arg2[%add3A_6] : memref<323584xi32, #tpu.memory_space<hbm>> -> memref<128xi32, #tpu.memory_space<hbm>>
      tpu.enqueue_dma source(%dma_start3A_19 : memref<128xi32, #tpu.memory_space<hbm>>) target(%arg7 : memref<128xi32, #tpu.memory_space<vmem>>) target_semaphore(%run_scoped3A : memref<!tpu.dma_semaphore, #tpu.memory_space<semaphore_mem>>)
      %dma_wait3A_20 = tpu.memref_slice %arg2[%add3A_6] : memref<323584xi32, #tpu.memory_space<hbm>> -> memref<128xi32, #tpu.memory_space<hbm>>
      %dma_wait3A_21 = tpu.memref_slice %arg2[%add3A_6] : memref<323584xi32, #tpu.memory_space<hbm>> -> memref<128xi32, #tpu.memory_space<hbm>>
      tpu.wait_dma2 semaphore(%run_scoped3A : memref<!tpu.dma_semaphore, #tpu.memory_space<semaphore_mem>>) src(%dma_wait3A_21 : memref<128xi32, #tpu.memory_space<hbm>>) dst(%arg7 : memref<128xi32, #tpu.memory_space<vmem>>)
      tpu.yield
    }) : () -> ()
    %add3A_7 = arith.constant 0 : i32
    %add3A_8 = arith.addi %mul3A_4, %add3A_7 : i32
    "tpu.region"() ({
      %run_scoped3A = tpu.sem_alloc : memref<!tpu.dma_semaphore, #tpu.memory_space<semaphore_mem>>
      %dma_start3A_18 = tpu.memref_slice %arg3[%add3A_8] : memref<323584xi32, #tpu.memory_space<hbm>> -> memref<128xi32, #tpu.memory_space<hbm>>
      %dma_start3A_19 = tpu.memref_slice %arg3[%add3A_8] : memref<323584xi32, #tpu.memory_space<hbm>> -> memref<128xi32, #tpu.memory_space<hbm>>
      tpu.enqueue_dma source(%dma_start3A_19 : memref<128xi32, #tpu.memory_space<hbm>>) target(%arg8 : memref<128xi32, #tpu.memory_space<vmem>>) target_semaphore(%run_scoped3A : memref<!tpu.dma_semaphore, #tpu.memory_space<semaphore_mem>>)
      %dma_wait3A_20 = tpu.memref_slice %arg3[%add3A_8] : memref<323584xi32, #tpu.memory_space<hbm>> -> memref<128xi32, #tpu.memory_space<hbm>>
      %dma_wait3A_21 = tpu.memref_slice %arg3[%add3A_8] : memref<323584xi32, #tpu.memory_space<hbm>> -> memref<128xi32, #tpu.memory_space<hbm>>
      tpu.wait_dma2 semaphore(%run_scoped3A : memref<!tpu.dma_semaphore, #tpu.memory_space<semaphore_mem>>) src(%dma_wait3A_21 : memref<128xi32, #tpu.memory_space<hbm>>) dst(%arg8 : memref<128xi32, #tpu.memory_space<vmem>>)
      tpu.yield
    }) : () -> ()
    %dma_start3A = arith.constant 0 : i32
    %dma_start3A_9 = arith.constant 0 : i32
    %dma_start3A_10 = tpu.memref_slice %arg4[%dma_start3A, %dma_start3A_9] : memref<10000x128xf32, #tpu.memory_space<hbm>> -> memref<10000x128xf32, #tpu.memory_space<hbm>>
    tpu.enqueue_indirect_dma source(%dma_start3A_10 : memref<10000x128xf32, #tpu.memory_space<hbm>>) target(%arg11 : memref<128x128xf32, #tpu.memory_space<vmem>>) offsets(%arg7 : memref<128xi32, #tpu.memory_space<vmem>>) semaphore(%arg14 : memref<!tpu.dma_semaphore, #tpu.memory_space<semaphore_mem>>)
    %scan3A = arith.constant 0 : i32
    %scan3A_11 = arith.constant 39 : i32
    %scan3A_12 = arith.addi %scan3A, %scan3A_11 : i32
    %scan3A_13 = arith.constant 1 : i32
    scf.for %scan3A_18 = %scan3A to %scan3A_12 step %scan3A_13  : i32 {
      %mul3A_19 = arith.constant 1 : i32
      %mul3A_20 = arith.muli %scan3A_18, %mul3A_19 : i32
      %add3A_21 = arith.constant 0 : i32
      %add3A_22 = arith.addi %add3A_21, %mul3A_20 : i32
      %mul3A_23 = arith.constant 2 : i32
      %mul3A_24 = arith.muli %mul3A_23, %add3A_22 : i32
      %add3A_25 = arith.constant 1 : i32
      %add3A_26 = arith.addi %mul3A_24, %add3A_25 : i32
      %mul3A_27 = arith.constant 128 : i32
      %mul3A_28 = arith.muli %add3A_26, %mul3A_27 : i32
      %add3A_29 = arith.addi %mul3A_4, %mul3A_28 : i32
      "tpu.region"() ({
        %run_scoped3A = tpu.sem_alloc : memref<!tpu.dma_semaphore, #tpu.memory_space<semaphore_mem>>
        %dma_start3A_55 = tpu.memref_slice %arg2[%add3A_29] : memref<323584xi32, #tpu.memory_space<hbm>> -> memref<128xi32, #tpu.memory_space<hbm>>
        %dma_start3A_56 = tpu.memref_slice %arg2[%add3A_29] : memref<323584xi32, #tpu.memory_space<hbm>> -> memref<128xi32, #tpu.memory_space<hbm>>
        tpu.enqueue_dma source(%dma_start3A_56 : memref<128xi32, #tpu.memory_space<hbm>>) target(%arg9 : memref<128xi32, #tpu.memory_space<vmem>>) target_semaphore(%run_scoped3A : memref<!tpu.dma_semaphore, #tpu.memory_space<semaphore_mem>>)
        %dma_wait3A_57 = tpu.memref_slice %arg2[%add3A_29] : memref<323584xi32, #tpu.memory_space<hbm>> -> memref<128xi32, #tpu.memory_space<hbm>>
        %dma_wait3A_58 = tpu.memref_slice %arg2[%add3A_29] : memref<323584xi32, #tpu.memory_space<hbm>> -> memref<128xi32, #tpu.memory_space<hbm>>
        tpu.wait_dma2 semaphore(%run_scoped3A : memref<!tpu.dma_semaphore, #tpu.memory_space<semaphore_mem>>) src(%dma_wait3A_58 : memref<128xi32, #tpu.memory_space<hbm>>) dst(%arg9 : memref<128xi32, #tpu.memory_space<vmem>>)
        tpu.yield
      }) : () -> ()
      %mul3A_30 = arith.constant 128 : i32
      %mul3A_31 = arith.muli %add3A_26, %mul3A_30 : i32
      %add3A_32 = arith.addi %mul3A_4, %mul3A_31 : i32
      "tpu.region"() ({
        %run_scoped3A = tpu.sem_alloc : memref<!tpu.dma_semaphore, #tpu.memory_space<semaphore_mem>>
        %dma_start3A_55 = tpu.memref_slice %arg3[%add3A_32] : memref<323584xi32, #tpu.memory_space<hbm>> -> memref<128xi32, #tpu.memory_space<hbm>>
        %dma_start3A_56 = tpu.memref_slice %arg3[%add3A_32] : memref<323584xi32, #tpu.memory_space<hbm>> -> memref<128xi32, #tpu.memory_space<hbm>>
        tpu.enqueue_dma source(%dma_start3A_56 : memref<128xi32, #tpu.memory_space<hbm>>) target(%arg10 : memref<128xi32, #tpu.memory_space<vmem>>) target_semaphore(%run_scoped3A : memref<!tpu.dma_semaphore, #tpu.memory_space<semaphore_mem>>)
        %dma_wait3A_57 = tpu.memref_slice %arg3[%add3A_32] : memref<323584xi32, #tpu.memory_space<hbm>> -> memref<128xi32, #tpu.memory_space<hbm>>
        %dma_wait3A_58 = tpu.memref_slice %arg3[%add3A_32] : memref<323584xi32, #tpu.memory_space<hbm>> -> memref<128xi32, #tpu.memory_space<hbm>>
        tpu.wait_dma2 semaphore(%run_scoped3A : memref<!tpu.dma_semaphore, #tpu.memory_space<semaphore_mem>>) src(%dma_wait3A_58 : memref<128xi32, #tpu.memory_space<hbm>>) dst(%arg10 : memref<128xi32, #tpu.memory_space<vmem>>)
        tpu.yield
      }) : () -> ()
      %dma_wait3A_33 = arith.constant 0 : i32
      %dma_wait3A_34 = arith.constant 0 : i32
      %dma_wait3A_35 = tpu.memref_slice %arg4[%dma_wait3A_33, %dma_wait3A_34] : memref<10000x128xf32, #tpu.memory_space<hbm>> -> memref<10000x128xf32, #tpu.memory_space<hbm>>
      tpu.wait_indirect_dma semaphore(%arg14 : memref<!tpu.dma_semaphore, #tpu.memory_space<semaphore_mem>>) src(%dma_wait3A_35 : memref<10000x128xf32, #tpu.memory_space<hbm>>) dst(%arg11 : memref<128x128xf32, #tpu.memory_space<vmem>>)
      %dma_start3A_36 = arith.constant 0 : i32
      %dma_start3A_37 = arith.constant 0 : i32
      %dma_start3A_38 = tpu.memref_slice %arg4[%dma_start3A_36, %dma_start3A_37] : memref<10000x128xf32, #tpu.memory_space<hbm>> -> memref<10000x128xf32, #tpu.memory_space<hbm>>
      tpu.enqueue_indirect_dma source(%dma_start3A_38 : memref<10000x128xf32, #tpu.memory_space<hbm>>) target(%arg12 : memref<128x128xf32, #tpu.memory_space<vmem>>) offsets(%arg9 : memref<128xi32, #tpu.memory_space<vmem>>) semaphore(%arg14 : memref<!tpu.dma_semaphore, #tpu.memory_space<semaphore_mem>>)
      "tpu.region"() ({
        %run_scoped3A = tpu.sem_alloc : memref<!tpu.dma_semaphore, #tpu.memory_space<semaphore_mem>>
        %dma_start3A_55 = arith.constant 0 : i32
        %dma_start3A_56 = arith.constant 0 : i32
        %dma_start3A_57 = tpu.memref_slice %arg13[%dma_start3A_55, %dma_start3A_56] : memref<10240x128xf32, #tpu.memory_space<vmem_shared>> -> memref<10240x128xf32, #tpu.memory_space<vmem_shared>>
        tpu.enqueue_indirect_dma source(%arg11 : memref<128x128xf32, #tpu.memory_space<vmem>>) target(%dma_start3A_57 : memref<10240x128xf32, #tpu.memory_space<vmem_shared>>) offsets(%arg8 : memref<128xi32, #tpu.memory_space<vmem>>) semaphore(%run_scoped3A : memref<!tpu.dma_semaphore, #tpu.memory_space<semaphore_mem>>) {add = true}
        %dma_wait3A_58 = arith.constant 0 : i32
        %dma_wait3A_59 = arith.constant 0 : i32
        %dma_wait3A_60 = tpu.memref_slice %arg13[%dma_wait3A_58, %dma_wait3A_59] : memref<10240x128xf32, #tpu.memory_space<vmem_shared>> -> memref<10240x128xf32, #tpu.memory_space<vmem_shared>>
        tpu.wait_indirect_dma semaphore(%run_scoped3A : memref<!tpu.dma_semaphore, #tpu.memory_space<semaphore_mem>>) src(%arg11 : memref<128x128xf32, #tpu.memory_space<vmem>>) dst(%dma_wait3A_60 : memref<10240x128xf32, #tpu.memory_space<vmem_shared>>)
        tpu.yield
      }) : () -> ()
      %mul3A_39 = arith.constant 2 : i32
      %mul3A_40 = arith.muli %mul3A_39, %add3A_22 : i32
      %add3A_41 = arith.constant 2 : i32
      %add3A_42 = arith.addi %mul3A_40, %add3A_41 : i32
      %mul3A_43 = arith.constant 128 : i32
      %mul3A_44 = arith.muli %add3A_42, %mul3A_43 : i32
      %add3A_45 = arith.addi %mul3A_4, %mul3A_44 : i32
      "tpu.region"() ({
        %run_scoped3A = tpu.sem_alloc : memref<!tpu.dma_semaphore, #tpu.memory_space<semaphore_mem>>
        %dma_start3A_55 = tpu.memref_slice %arg2[%add3A_45] : memref<323584xi32, #tpu.memory_space<hbm>> -> memref<128xi32, #tpu.memory_space<hbm>>
        %dma_start3A_56 = tpu.memref_slice %arg2[%add3A_45] : memref<323584xi32, #tpu.memory_space<hbm>> -> memref<128xi32, #tpu.memory_space<hbm>>
        tpu.enqueue_dma source(%dma_start3A_56 : memref<128xi32, #tpu.memory_space<hbm>>) target(%arg7 : memref<128xi32, #tpu.memory_space<vmem>>) target_semaphore(%run_scoped3A : memref<!tpu.dma_semaphore, #tpu.memory_space<semaphore_mem>>)
        %dma_wait3A_57 = tpu.memref_slice %arg2[%add3A_45] : memref<323584xi32, #tpu.memory_space<hbm>> -> memref<128xi32, #tpu.memory_space<hbm>>
        %dma_wait3A_58 = tpu.memref_slice %arg2[%add3A_45] : memref<323584xi32, #tpu.memory_space<hbm>> -> memref<128xi32, #tpu.memory_space<hbm>>
        tpu.wait_dma2 semaphore(%run_scoped3A : memref<!tpu.dma_semaphore, #tpu.memory_space<semaphore_mem>>) src(%dma_wait3A_58 : memref<128xi32, #tpu.memory_space<hbm>>) dst(%arg7 : memref<128xi32, #tpu.memory_space<vmem>>)
        tpu.yield
      }) : () -> ()
      %mul3A_46 = arith.constant 128 : i32
      %mul3A_47 = arith.muli %add3A_42, %mul3A_46 : i32
      %add3A_48 = arith.addi %mul3A_4, %mul3A_47 : i32
      "tpu.region"() ({
        %run_scoped3A = tpu.sem_alloc : memref<!tpu.dma_semaphore, #tpu.memory_space<semaphore_mem>>
        %dma_start3A_55 = tpu.memref_slice %arg3[%add3A_48] : memref<323584xi32, #tpu.memory_space<hbm>> -> memref<128xi32, #tpu.memory_space<hbm>>
        %dma_start3A_56 = tpu.memref_slice %arg3[%add3A_48] : memref<323584xi32, #tpu.memory_space<hbm>> -> memref<128xi32, #tpu.memory_space<hbm>>
        tpu.enqueue_dma source(%dma_start3A_56 : memref<128xi32, #tpu.memory_space<hbm>>) target(%arg8 : memref<128xi32, #tpu.memory_space<vmem>>) target_semaphore(%run_scoped3A : memref<!tpu.dma_semaphore, #tpu.memory_space<semaphore_mem>>)
        %dma_wait3A_57 = tpu.memref_slice %arg3[%add3A_48] : memref<323584xi32, #tpu.memory_space<hbm>> -> memref<128xi32, #tpu.memory_space<hbm>>
        %dma_wait3A_58 = tpu.memref_slice %arg3[%add3A_48] : memref<323584xi32, #tpu.memory_space<hbm>> -> memref<128xi32, #tpu.memory_space<hbm>>
        tpu.wait_dma2 semaphore(%run_scoped3A : memref<!tpu.dma_semaphore, #tpu.memory_space<semaphore_mem>>) src(%dma_wait3A_58 : memref<128xi32, #tpu.memory_space<hbm>>) dst(%arg8 : memref<128xi32, #tpu.memory_space<vmem>>)
        tpu.yield
      }) : () -> ()
      %dma_wait3A_49 = arith.constant 0 : i32
      %dma_wait3A_50 = arith.constant 0 : i32
      %dma_wait3A_51 = tpu.memref_slice %arg4[%dma_wait3A_49, %dma_wait3A_50] : memref<10000x128xf32, #tpu.memory_space<hbm>> -> memref<10000x128xf32, #tpu.memory_space<hbm>>
      tpu.wait_indirect_dma semaphore(%arg14 : memref<!tpu.dma_semaphore, #tpu.memory_space<semaphore_mem>>) src(%dma_wait3A_51 : memref<10000x128xf32, #tpu.memory_space<hbm>>) dst(%arg12 : memref<128x128xf32, #tpu.memory_space<vmem>>)
      %dma_start3A_52 = arith.constant 0 : i32
      %dma_start3A_53 = arith.constant 0 : i32
      %dma_start3A_54 = tpu.memref_slice %arg4[%dma_start3A_52, %dma_start3A_53] : memref<10000x128xf32, #tpu.memory_space<hbm>> -> memref<10000x128xf32, #tpu.memory_space<hbm>>
      tpu.enqueue_indirect_dma source(%dma_start3A_54 : memref<10000x128xf32, #tpu.memory_space<hbm>>) target(%arg11 : memref<128x128xf32, #tpu.memory_space<vmem>>) offsets(%arg7 : memref<128xi32, #tpu.memory_space<vmem>>) semaphore(%arg14 : memref<!tpu.dma_semaphore, #tpu.memory_space<semaphore_mem>>)
      "tpu.region"() ({
        %run_scoped3A = tpu.sem_alloc : memref<!tpu.dma_semaphore, #tpu.memory_space<semaphore_mem>>
        %dma_start3A_55 = arith.constant 0 : i32
        %dma_start3A_56 = arith.constant 0 : i32
        %dma_start3A_57 = tpu.memref_slice %arg13[%dma_start3A_55, %dma_start3A_56] : memref<10240x128xf32, #tpu.memory_space<vmem_shared>> -> memref<10240x128xf32, #tpu.memory_space<vmem_shared>>
        tpu.enqueue_indirect_dma source(%arg12 : memref<128x128xf32, #tpu.memory_space<vmem>>) target(%dma_start3A_57 : memref<10240x128xf32, #tpu.memory_space<vmem_shared>>) offsets(%arg10 : memref<128xi32, #tpu.memory_space<vmem>>) semaphore(%run_scoped3A : memref<!tpu.dma_semaphore, #tpu.memory_space<semaphore_mem>>) {add = true}
        %dma_wait3A_58 = arith.constant 0 : i32
        %dma_wait3A_59 = arith.constant 0 : i32
        %dma_wait3A_60 = tpu.memref_slice %arg13[%dma_wait3A_58, %dma_wait3A_59] : memref<10240x128xf32, #tpu.memory_space<vmem_shared>> -> memref<10240x128xf32, #tpu.memory_space<vmem_shared>>
        tpu.wait_indirect_dma semaphore(%run_scoped3A : memref<!tpu.dma_semaphore, #tpu.memory_space<semaphore_mem>>) src(%arg12 : memref<128x128xf32, #tpu.memory_space<vmem>>) dst(%dma_wait3A_60 : memref<10240x128xf32, #tpu.memory_space<vmem_shared>>)
        tpu.yield
      }) : () -> ()
    }
    %scan3A_14 = arith.constant 39 : i32
    %dma_wait3A = arith.constant 0 : i32
    %dma_wait3A_15 = arith.constant 0 : i32
    %dma_wait3A_16 = tpu.memref_slice %arg4[%dma_wait3A, %dma_wait3A_15] : memref<10000x128xf32, #tpu.memory_space<hbm>> -> memref<10000x128xf32, #tpu.memory_space<hbm>>
    tpu.wait_indirect_dma semaphore(%arg14 : memref<!tpu.dma_semaphore, #tpu.memory_space<semaphore_mem>>) src(%dma_wait3A_16 : memref<10000x128xf32, #tpu.memory_space<hbm>>) dst(%arg11 : memref<128x128xf32, #tpu.memory_space<vmem>>)
    "tpu.region"() ({
      %run_scoped3A = tpu.sem_alloc : memref<!tpu.dma_semaphore, #tpu.memory_space<semaphore_mem>>
      %dma_start3A_18 = arith.constant 0 : i32
      %dma_start3A_19 = arith.constant 0 : i32
      %dma_start3A_20 = tpu.memref_slice %arg13[%dma_start3A_18, %dma_start3A_19] : memref<10240x128xf32, #tpu.memory_space<vmem_shared>> -> memref<10240x128xf32, #tpu.memory_space<vmem_shared>>
      tpu.enqueue_indirect_dma source(%arg11 : memref<128x128xf32, #tpu.memory_space<vmem>>) target(%dma_start3A_20 : memref<10240x128xf32, #tpu.memory_space<vmem_shared>>) offsets(%arg8 : memref<128xi32, #tpu.memory_space<vmem>>) semaphore(%run_scoped3A : memref<!tpu.dma_semaphore, #tpu.memory_space<semaphore_mem>>) {add = true}
      %dma_wait3A_21 = arith.constant 0 : i32
      %dma_wait3A_22 = arith.constant 0 : i32
      %dma_wait3A_23 = tpu.memref_slice %arg13[%dma_wait3A_21, %dma_wait3A_22] : memref<10240x128xf32, #tpu.memory_space<vmem_shared>> -> memref<10240x128xf32, #tpu.memory_space<vmem_shared>>
      tpu.wait_indirect_dma semaphore(%run_scoped3A : memref<!tpu.dma_semaphore, #tpu.memory_space<semaphore_mem>>) src(%arg11 : memref<128x128xf32, #tpu.memory_space<vmem>>) dst(%dma_wait3A_23 : memref<10240x128xf32, #tpu.memory_space<vmem_shared>>)
      tpu.yield
    }) : () -> ()
    %barrier3A_17 = arith.constant 0 : index
    tpu.barrier barrier_id(%barrier3A_17)
    "tpu.region"() ({
      %run_scoped3A = tpu.sem_alloc : memref<!tpu.dma_semaphore, #tpu.memory_space<semaphore_mem>>
      %dma_start3A_18 = arith.constant 0 : i32
      %dma_start3A_19 = tpu.memref_slice %arg6[%arg0, %mul3A_2, %dma_start3A_18] : memref<2x10240x128xf32, #tpu.memory_space<hbm>> -> memref<1x640x128xf32, #tpu.memory_space<hbm>>
      %dma_start3A_20 = tpu.memref_squeeze %dma_start3A_19 : memref<1x640x128xf32, #tpu.memory_space<hbm>> -> memref<640x128xf32, #tpu.memory_space<hbm>>
      %dma_start3A_21 = arith.constant 0 : i32
      %dma_start3A_22 = tpu.memref_slice %arg13[%mul3A_2, %dma_start3A_21] : memref<10240x128xf32, #tpu.memory_space<vmem_shared>> -> memref<640x128xf32, #tpu.memory_space<vmem_shared>>
      tpu.enqueue_dma source(%dma_start3A_22 : memref<640x128xf32, #tpu.memory_space<vmem_shared>>) target(%dma_start3A_20 : memref<640x128xf32, #tpu.memory_space<hbm>>) target_semaphore(%run_scoped3A : memref<!tpu.dma_semaphore, #tpu.memory_space<semaphore_mem>>)
      %dma_wait3A_23 = arith.constant 0 : i32
      %dma_wait3A_24 = tpu.memref_slice %arg6[%arg0, %mul3A_2, %dma_wait3A_23] : memref<2x10240x128xf32, #tpu.memory_space<hbm>> -> memref<1x640x128xf32, #tpu.memory_space<hbm>>
      %dma_wait3A_25 = tpu.memref_squeeze %dma_wait3A_24 : memref<1x640x128xf32, #tpu.memory_space<hbm>> -> memref<640x128xf32, #tpu.memory_space<hbm>>
      %dma_wait3A_26 = arith.constant 0 : i32
      %dma_wait3A_27 = tpu.memref_slice %arg13[%mul3A_2, %dma_wait3A_26] : memref<10240x128xf32, #tpu.memory_space<vmem_shared>> -> memref<640x128xf32, #tpu.memory_space<vmem_shared>>
      tpu.wait_dma2 semaphore(%run_scoped3A : memref<!tpu.dma_semaphore, #tpu.memory_space<semaphore_mem>>) src(%dma_wait3A_27 : memref<640x128xf32, #tpu.memory_space<vmem_shared>>) dst(%dma_wait3A_25 : memref<640x128xf32, #tpu.memory_space<hbm>>)
      tpu.yield
    }) : () -> ()
    return
  }
}

#map = affine_map<(d0, d1) -> (0)>
#map1 = affine_map<(d0, d1) -> (0, 0)>
#map2 = affine_map<(d0, d1) -> (0, 0, 0)>
module attributes {stable_mosaic.version = 14 : i64} {
  func.func @_deg_body(%arg0: i32, %arg1: i32, %arg2: memref<323584xi32, #tpu.memory_space<hbm>>, %arg3: memref<128x128xf32, #tpu.memory_space<hbm>>, %arg4: memref<10240x128xf32, #tpu.memory_space<hbm>>, %arg5: memref<2x10240x128xf32, #tpu.memory_space<hbm>>, %arg6: memref<128xi32, #tpu.memory_space<vmem>>, %arg7: memref<128x128xf32, #tpu.memory_space<vmem>>, %arg8: memref<10240x128xf32, #tpu.memory_space<vmem_shared>>) attributes {dimension_semantics = [#tpu.dimension_semantics<core_parallel>, #tpu.dimension_semantics<subcore_parallel>], iteration_bounds = array<i64: 2, 16>, scalar_prefetch = 0 : i64, scratch_operands = 3 : i64, tpu.core_type = #tpu.core_type<sc_vector_subcore>, window_params = [{transform_indices = #map}, {transform_indices = #map1}, {transform_indices = #map1}, {transform_indices = #map2}]} {
    %mul3A = arith.constant 16 : i32
    %mul3A_0 = arith.muli %arg0, %mul3A : i32
    %add3A = arith.addi %mul3A_0, %arg1 : i32
    %mul3A_1 = arith.constant 640 : i32
    %mul3A_2 = arith.muli %arg1, %mul3A_1 : i32
    "tpu.region"() ({
      %run_scoped3A = tpu.sem_alloc : memref<!tpu.dma_semaphore, #tpu.memory_space<semaphore_mem>>
      %dma_start3A = arith.constant 0 : i32
      %dma_start3A_10 = tpu.memref_slice %arg8[%mul3A_2, %dma_start3A] : memref<10240x128xf32, #tpu.memory_space<vmem_shared>> -> memref<640x128xf32, #tpu.memory_space<vmem_shared>>
      %dma_start3A_11 = arith.constant 0 : i32
      %dma_start3A_12 = tpu.memref_slice %arg4[%mul3A_2, %dma_start3A_11] : memref<10240x128xf32, #tpu.memory_space<hbm>> -> memref<640x128xf32, #tpu.memory_space<hbm>>
      tpu.enqueue_dma source(%dma_start3A_12 : memref<640x128xf32, #tpu.memory_space<hbm>>) target(%dma_start3A_10 : memref<640x128xf32, #tpu.memory_space<vmem_shared>>) target_semaphore(%run_scoped3A : memref<!tpu.dma_semaphore, #tpu.memory_space<semaphore_mem>>)
      %dma_wait3A = arith.constant 0 : i32
      %dma_wait3A_13 = tpu.memref_slice %arg8[%mul3A_2, %dma_wait3A] : memref<10240x128xf32, #tpu.memory_space<vmem_shared>> -> memref<640x128xf32, #tpu.memory_space<vmem_shared>>
      %dma_wait3A_14 = arith.constant 0 : i32
      %dma_wait3A_15 = tpu.memref_slice %arg4[%mul3A_2, %dma_wait3A_14] : memref<10240x128xf32, #tpu.memory_space<hbm>> -> memref<640x128xf32, #tpu.memory_space<hbm>>
      tpu.wait_dma2 semaphore(%run_scoped3A : memref<!tpu.dma_semaphore, #tpu.memory_space<semaphore_mem>>) src(%dma_wait3A_15 : memref<640x128xf32, #tpu.memory_space<hbm>>) dst(%dma_wait3A_13 : memref<640x128xf32, #tpu.memory_space<vmem_shared>>)
      tpu.yield
    }) : () -> ()
    "tpu.region"() ({
      %run_scoped3A = tpu.sem_alloc : memref<!tpu.dma_semaphore, #tpu.memory_space<semaphore_mem>>
      tpu.enqueue_dma source(%arg3 : memref<128x128xf32, #tpu.memory_space<hbm>>) target(%arg7 : memref<128x128xf32, #tpu.memory_space<vmem>>) target_semaphore(%run_scoped3A : memref<!tpu.dma_semaphore, #tpu.memory_space<semaphore_mem>>)
      tpu.wait_dma2 semaphore(%run_scoped3A : memref<!tpu.dma_semaphore, #tpu.memory_space<semaphore_mem>>) src(%arg3 : memref<128x128xf32, #tpu.memory_space<hbm>>) dst(%arg7 : memref<128x128xf32, #tpu.memory_space<vmem>>)
      tpu.yield
    }) : () -> ()
    %barrier3A = arith.constant 0 : index
    tpu.barrier barrier_id(%barrier3A)
    %mul3A_3 = arith.constant 10112 : i32
    %mul3A_4 = arith.muli %add3A, %mul3A_3 : i32
    %scan3A = arith.constant 0 : i32
    %scan3A_5 = arith.constant 79 : i32
    %scan3A_6 = arith.addi %scan3A, %scan3A_5 : i32
    %scan3A_7 = arith.constant 1 : i32
    scf.for %scan3A_10 = %scan3A to %scan3A_6 step %scan3A_7  : i32 {
      %mul3A_11 = arith.constant 1 : i32
      %mul3A_12 = arith.muli %scan3A_10, %mul3A_11 : i32
      %add3A_13 = arith.constant 0 : i32
      %add3A_14 = arith.addi %add3A_13, %mul3A_12 : i32
      %mul3A_15 = arith.constant 128 : i32
      %mul3A_16 = arith.muli %add3A_14, %mul3A_15 : i32
      %add3A_17 = arith.addi %mul3A_4, %mul3A_16 : i32
      "tpu.region"() ({
        %run_scoped3A = tpu.sem_alloc : memref<!tpu.dma_semaphore, #tpu.memory_space<semaphore_mem>>
        %dma_start3A = tpu.memref_slice %arg2[%add3A_17] : memref<323584xi32, #tpu.memory_space<hbm>> -> memref<128xi32, #tpu.memory_space<hbm>>
        %dma_start3A_18 = tpu.memref_slice %arg2[%add3A_17] : memref<323584xi32, #tpu.memory_space<hbm>> -> memref<128xi32, #tpu.memory_space<hbm>>
        tpu.enqueue_dma source(%dma_start3A_18 : memref<128xi32, #tpu.memory_space<hbm>>) target(%arg6 : memref<128xi32, #tpu.memory_space<vmem>>) target_semaphore(%run_scoped3A : memref<!tpu.dma_semaphore, #tpu.memory_space<semaphore_mem>>)
        %dma_wait3A = tpu.memref_slice %arg2[%add3A_17] : memref<323584xi32, #tpu.memory_space<hbm>> -> memref<128xi32, #tpu.memory_space<hbm>>
        %dma_wait3A_19 = tpu.memref_slice %arg2[%add3A_17] : memref<323584xi32, #tpu.memory_space<hbm>> -> memref<128xi32, #tpu.memory_space<hbm>>
        tpu.wait_dma2 semaphore(%run_scoped3A : memref<!tpu.dma_semaphore, #tpu.memory_space<semaphore_mem>>) src(%dma_wait3A_19 : memref<128xi32, #tpu.memory_space<hbm>>) dst(%arg6 : memref<128xi32, #tpu.memory_space<vmem>>)
        tpu.yield
      }) : () -> ()
      "tpu.region"() ({
        %run_scoped3A = tpu.sem_alloc : memref<!tpu.dma_semaphore, #tpu.memory_space<semaphore_mem>>
        %dma_start3A = arith.constant 0 : i32
        %dma_start3A_18 = arith.constant 0 : i32
        %dma_start3A_19 = tpu.memref_slice %arg8[%dma_start3A, %dma_start3A_18] : memref<10240x128xf32, #tpu.memory_space<vmem_shared>> -> memref<10240x128xf32, #tpu.memory_space<vmem_shared>>
        tpu.enqueue_indirect_dma source(%arg7 : memref<128x128xf32, #tpu.memory_space<vmem>>) target(%dma_start3A_19 : memref<10240x128xf32, #tpu.memory_space<vmem_shared>>) offsets(%arg6 : memref<128xi32, #tpu.memory_space<vmem>>) semaphore(%run_scoped3A : memref<!tpu.dma_semaphore, #tpu.memory_space<semaphore_mem>>) {add = true}
        %dma_wait3A = arith.constant 0 : i32
        %dma_wait3A_20 = arith.constant 0 : i32
        %dma_wait3A_21 = tpu.memref_slice %arg8[%dma_wait3A, %dma_wait3A_20] : memref<10240x128xf32, #tpu.memory_space<vmem_shared>> -> memref<10240x128xf32, #tpu.memory_space<vmem_shared>>
        tpu.wait_indirect_dma semaphore(%run_scoped3A : memref<!tpu.dma_semaphore, #tpu.memory_space<semaphore_mem>>) src(%arg7 : memref<128x128xf32, #tpu.memory_space<vmem>>) dst(%dma_wait3A_21 : memref<10240x128xf32, #tpu.memory_space<vmem_shared>>)
        tpu.yield
      }) : () -> ()
    }
    %scan3A_8 = arith.constant 79 : i32
    %barrier3A_9 = arith.constant 0 : index
    tpu.barrier barrier_id(%barrier3A_9)
    "tpu.region"() ({
      %run_scoped3A = tpu.sem_alloc : memref<!tpu.dma_semaphore, #tpu.memory_space<semaphore_mem>>
      %dma_start3A = arith.constant 0 : i32
      %dma_start3A_10 = tpu.memref_slice %arg5[%arg0, %mul3A_2, %dma_start3A] : memref<2x10240x128xf32, #tpu.memory_space<hbm>> -> memref<1x640x128xf32, #tpu.memory_space<hbm>>
      %dma_start3A_11 = tpu.memref_squeeze %dma_start3A_10 : memref<1x640x128xf32, #tpu.memory_space<hbm>> -> memref<640x128xf32, #tpu.memory_space<hbm>>
      %dma_start3A_12 = arith.constant 0 : i32
      %dma_start3A_13 = tpu.memref_slice %arg8[%mul3A_2, %dma_start3A_12] : memref<10240x128xf32, #tpu.memory_space<vmem_shared>> -> memref<640x128xf32, #tpu.memory_space<vmem_shared>>
      tpu.enqueue_dma source(%dma_start3A_13 : memref<640x128xf32, #tpu.memory_space<vmem_shared>>) target(%dma_start3A_11 : memref<640x128xf32, #tpu.memory_space<hbm>>) target_semaphore(%run_scoped3A : memref<!tpu.dma_semaphore, #tpu.memory_space<semaphore_mem>>)
      %dma_wait3A = arith.constant 0 : i32
      %dma_wait3A_14 = tpu.memref_slice %arg5[%arg0, %mul3A_2, %dma_wait3A] : memref<2x10240x128xf32, #tpu.memory_space<hbm>> -> memref<1x640x128xf32, #tpu.memory_space<hbm>>
      %dma_wait3A_15 = tpu.memref_squeeze %dma_wait3A_14 : memref<1x640x128xf32, #tpu.memory_space<hbm>> -> memref<640x128xf32, #tpu.memory_space<hbm>>
      %dma_wait3A_16 = arith.constant 0 : i32
      %dma_wait3A_17 = tpu.memref_slice %arg8[%mul3A_2, %dma_wait3A_16] : memref<10240x128xf32, #tpu.memory_space<vmem_shared>> -> memref<640x128xf32, #tpu.memory_space<vmem_shared>>
      tpu.wait_dma2 semaphore(%run_scoped3A : memref<!tpu.dma_semaphore, #tpu.memory_space<semaphore_mem>>) src(%dma_wait3A_17 : memref<640x128xf32, #tpu.memory_space<vmem_shared>>) dst(%dma_wait3A_15 : memref<640x128xf32, #tpu.memory_space<hbm>>)
      tpu.yield
    }) : () -> ()
    return
  }
}

module attributes {stable_mosaic.version = 14 : i64} {
  func.func @_mm1_body(%arg0: i32, %arg1: memref<1000x128xf32, #tpu.memory_space<vmem>>, %arg2: memref<128x128xf32, #tpu.memory_space<vmem>>, %arg3: memref<1000x1xf32, #tpu.memory_space<vmem>>, %arg4: memref<1000x128xf32, #tpu.memory_space<vmem>>) attributes {dimension_semantics = [#tpu.dimension_semantics<arbitrary>], iteration_bounds = array<i64: 10>, scalar_prefetch = 0 : i64, scratch_operands = 0 : i64, tpu.core_type = #tpu.core_type<tc>, window_params = [{transform_indices = @transform_0, window_bounds = array<i64: 1000, 128>}, {pipeline_mode = #tpu.pipeline_mode<synchronous>, transform_indices = @transform_1, window_bounds = array<i64: 128, 128>}, {transform_indices = @transform_2, window_bounds = array<i64: 1000, 1>}, {transform_indices = @transform_3, window_bounds = array<i64: 1000, 128>}]} {
    %get3A = arith.constant 0 : index
    %get3A_0 = arith.constant 0 : index
    %get3A_1 = vector.load %arg3[%get3A, %get3A_0] : memref<1000x1xf32, #tpu.memory_space<vmem>>, vector<1000x1xf32>
    %get3A_2 = arith.constant 0 : index
    %get3A_3 = arith.constant 0 : index
    %get3A_4 = vector.load %arg1[%get3A_2, %get3A_3] : memref<1000x128xf32, #tpu.memory_space<vmem>>, vector<1000x128xf32>
    %get3A_5 = arith.constant 0 : index
    %get3A_6 = arith.constant 0 : index
    %get3A_7 = vector.load %arg2[%get3A_5, %get3A_6] : memref<128x128xf32, #tpu.memory_space<vmem>>, vector<128x128xf32>
    %dot_general3A = arith.constant dense<0.000000e+00> : vector<1000x128xf32>
    %dot_general3A_8 = tpu.matmul %get3A_4, %get3A_7, %dot_general3A {dimension_numbers = #tpu.dot_dimension_numbers<[1], [0], [0], [1], [0, 0, 1, 1], [], []>, transpose_lhs_hint = false} : vector<1000x128xf32>, vector<128x128xf32>, vector<1000x128xf32> -> vector<1000x128xf32>
    %mul3A = vector.broadcast %get3A_1 : vector<1000x1xf32> to vector<1000x128xf32>
    %mul3A_9 = arith.mulf %mul3A, %dot_general3A_8 : vector<1000x128xf32>
    %swap3A = arith.constant 0 : index
    %swap3A_10 = arith.constant 0 : index
    %swap3A_11 = vector.load %arg4[%swap3A, %swap3A_10] : memref<1000x128xf32, #tpu.memory_space<vmem>>, vector<1000x128xf32>
    tpu.vector_store %arg4[%swap3A, %swap3A_10], %mul3A_9 {strides = array<i32>} : memref<1000x128xf32, #tpu.memory_space<vmem>>, vector<1000x128xf32>,
    return
  }
  func.func @transform_0(%arg0: i32) -> (i32, i32) {
    %c0_i32 = arith.constant 0 : i32
    %c0_i32_0 = arith.constant 0 : i32
    return %arg0, %c0_i32 : i32, i32
  }
  func.func @transform_1(%arg0: i32) -> (i32, i32) {
    %c0_i32 = arith.constant 0 : i32
    %c0_i32_0 = arith.constant 0 : i32
    %c0_i32_1 = arith.constant 0 : i32
    return %c0_i32, %c0_i32_0 : i32, i32
  }
  func.func @transform_2(%arg0: i32) -> (i32, i32) {
    %c0_i32 = arith.constant 0 : i32
    %c0_i32_0 = arith.constant 0 : i32
    return %arg0, %c0_i32 : i32, i32
  }
  func.func @transform_3(%arg0: i32) -> (i32, i32) {
    %c0_i32 = arith.constant 0 : i32
    %c0_i32_0 = arith.constant 0 : i32
    return %arg0, %c0_i32 : i32, i32
  }
}

module attributes {stable_mosaic.version = 14 : i64} {
  func.func @_mm2_body(%arg0: i32, %arg1: memref<2x1000x128xf32, #tpu.memory_space<vmem>>, %arg2: memref<1000x128xf32, #tpu.memory_space<vmem>>, %arg3: memref<1000x1xf32, #tpu.memory_space<vmem>>, %arg4: memref<1x128xf32, #tpu.memory_space<vmem>>, %arg5: memref<128x128xf32, #tpu.memory_space<vmem>>, %arg6: memref<1000x128xf32, #tpu.memory_space<vmem>>) attributes {dimension_semantics = [#tpu.dimension_semantics<arbitrary>], iteration_bounds = array<i64: 10>, scalar_prefetch = 0 : i64, scratch_operands = 0 : i64, tpu.core_type = #tpu.core_type<tc>, window_params = [{transform_indices = @transform_0, window_bounds = array<i64: 2, 1000, 128>}, {transform_indices = @transform_1, window_bounds = array<i64: 1000, 128>}, {transform_indices = @transform_2, window_bounds = array<i64: 1000, 1>}, {pipeline_mode = #tpu.pipeline_mode<synchronous>, transform_indices = @transform_3, window_bounds = array<i64: 1, 128>}, {pipeline_mode = #tpu.pipeline_mode<synchronous>, transform_indices = @transform_4, window_bounds = array<i64: 128, 128>}, {transform_indices = @transform_5, window_bounds = array<i64: 1000, 128>}]} {
    %get3A = arith.constant 0 : index
    %get3A_0 = arith.constant 0 : index
    %get3A_1 = vector.load %arg3[%get3A, %get3A_0] : memref<1000x1xf32, #tpu.memory_space<vmem>>, vector<1000x1xf32>
    %get3A_2 = arith.constant 0 : index
    %get3A_3 = arith.constant 0 : index
    %get3A_4 = arith.constant 0 : index
    %get3A_5 = vector.load %arg1[%get3A_2, %get3A_3, %get3A_4] : memref<2x1000x128xf32, #tpu.memory_space<vmem>>, vector<1x1000x128xf32>
    %get3A_6 = vector.shape_cast %get3A_5 : vector<1x1000x128xf32> to vector<1000x128xf32>
    %get3A_7 = arith.constant 1 : index
    %get3A_8 = arith.constant 0 : index
    %get3A_9 = arith.constant 0 : index
    %get3A_10 = vector.load %arg1[%get3A_7, %get3A_8, %get3A_9] : memref<2x1000x128xf32, #tpu.memory_space<vmem>>, vector<1x1000x128xf32>
    %get3A_11 = vector.shape_cast %get3A_10 : vector<1x1000x128xf32> to vector<1000x128xf32>
    %add3A = arith.addf %get3A_6, %get3A_11 : vector<1000x128xf32>
    %get3A_12 = arith.constant 0 : index
    %get3A_13 = arith.constant 0 : index
    %get3A_14 = vector.load %arg2[%get3A_12, %get3A_13] : memref<1000x128xf32, #tpu.memory_space<vmem>>, vector<1000x128xf32>
    %add3A_15 = arith.addf %add3A, %get3A_14 : vector<1000x128xf32>
    %mul3A = vector.broadcast %get3A_1 : vector<1000x1xf32> to vector<1000x128xf32>
    %mul3A_16 = arith.mulf %mul3A, %add3A_15 : vector<1000x128xf32>
    %get3A_17 = arith.constant 0 : index
    %get3A_18 = arith.constant 0 : index
    %get3A_19 = vector.load %arg4[%get3A_17, %get3A_18] : memref<1x128xf32, #tpu.memory_space<vmem>>, vector<1x128xf32>
    %add3A_20 = vector.broadcast %get3A_19 : vector<1x128xf32> to vector<1000x128xf32>
    %add3A_21 = arith.addf %mul3A_16, %add3A_20 : vector<1000x128xf32>
    %max3A = arith.constant 0.000000e+00 : f32
    %max3A_22 = vector.broadcast %max3A : f32 to vector<1000x128xf32>
    %max3A_23 = arith.maximumf %add3A_21, %max3A_22 : vector<1000x128xf32>
    %get3A_24 = arith.constant 0 : index
    %get3A_25 = arith.constant 0 : index
    %get3A_26 = vector.load %arg3[%get3A_24, %get3A_25] : memref<1000x1xf32, #tpu.memory_space<vmem>>, vector<1000x1xf32>
    %get3A_27 = arith.constant 0 : index
    %get3A_28 = arith.constant 0 : index
    %get3A_29 = vector.load %arg5[%get3A_27, %get3A_28] : memref<128x128xf32, #tpu.memory_space<vmem>>, vector<128x128xf32>
    %dot_general3A = arith.constant dense<0.000000e+00> : vector<1000x128xf32>
    %dot_general3A_30 = tpu.matmul %max3A_23, %get3A_29, %dot_general3A {dimension_numbers = #tpu.dot_dimension_numbers<[1], [0], [0], [1], [0, 0, 1, 1], [], []>, transpose_lhs_hint = false} : vector<1000x128xf32>, vector<128x128xf32>, vector<1000x128xf32> -> vector<1000x128xf32>
    %mul3A_31 = vector.broadcast %get3A_26 : vector<1000x1xf32> to vector<1000x128xf32>
    %mul3A_32 = arith.mulf %mul3A_31, %dot_general3A_30 : vector<1000x128xf32>
    %swap3A = arith.constant 0 : index
    %swap3A_33 = arith.constant 0 : index
    %swap3A_34 = vector.load %arg6[%swap3A, %swap3A_33] : memref<1000x128xf32, #tpu.memory_space<vmem>>, vector<1000x128xf32>
    tpu.vector_store %arg6[%swap3A, %swap3A_33], %mul3A_32 {strides = array<i32>} : memref<1000x128xf32, #tpu.memory_space<vmem>>, vector<1000x128xf32>,
    return
  }
  func.func @transform_0(%arg0: i32) -> (i32, i32, i32) {
    %c0_i32 = arith.constant 0 : i32
    %c0_i32_0 = arith.constant 0 : i32
    %c0_i32_1 = arith.constant 0 : i32
    return %c0_i32, %arg0, %c0_i32_0 : i32, i32, i32
  }
  func.func @transform_1(%arg0: i32) -> (i32, i32) {
    %c0_i32 = arith.constant 0 : i32
    %c0_i32_0 = arith.constant 0 : i32
    return %arg0, %c0_i32 : i32, i32
  }
  func.func @transform_2(%arg0: i32) -> (i32, i32) {
    %c0_i32 = arith.constant 0 : i32
    %c0_i32_0 = arith.constant 0 : i32
    return %arg0, %c0_i32 : i32, i32
  }
  func.func @transform_3(%arg0: i32) -> (i32, i32) {
    %c0_i32 = arith.constant 0 : i32
    %c0_i32_0 = arith.constant 0 : i32
    %c0_i32_1 = arith.constant 0 : i32
    return %c0_i32, %c0_i32_0 : i32, i32
  }
  func.func @transform_4(%arg0: i32) -> (i32, i32) {
    %c0_i32 = arith.constant 0 : i32
    %c0_i32_0 = arith.constant 0 : i32
    %c0_i32_1 = arith.constant 0 : i32
    return %c0_i32, %c0_i32_0 : i32, i32
  }
  func.func @transform_5(%arg0: i32) -> (i32, i32) {
    %c0_i32 = arith.constant 0 : i32
    %c0_i32_0 = arith.constant 0 : i32
    return %arg0, %c0_i32 : i32, i32
  }
}

module attributes {stable_mosaic.version = 14 : i64} {
  func.func @_pool_body(%arg0: i32, %arg1: memref<2x1000x128xf32, #tpu.memory_space<vmem>>, %arg2: memref<1000x128xf32, #tpu.memory_space<vmem>>, %arg3: memref<1000x1xf32, #tpu.memory_space<vmem>>, %arg4: memref<1x128xf32, #tpu.memory_space<vmem>>, %arg5: memref<1x1x1000xi32, #tpu.memory_space<vmem>>, %arg6: memref<64x128xf32, #tpu.memory_space<vmem>>, %arg7: memref<128x128xf32, #tpu.memory_space<vmem>>, %arg8: memref<128x1xf32, #tpu.memory_space<vmem>>) attributes {dimension_semantics = [#tpu.dimension_semantics<arbitrary>], iteration_bounds = array<i64: 10>, scalar_prefetch = 0 : i64, scratch_operands = 2 : i64, tpu.core_type = #tpu.core_type<tc>, window_params = [{transform_indices = @transform_0, window_bounds = array<i64: 2, 1000, 128>}, {transform_indices = @transform_1, window_bounds = array<i64: 1000, 128>}, {transform_indices = @transform_2, window_bounds = array<i64: 1000, 1>}, {pipeline_mode = #tpu.pipeline_mode<synchronous>, transform_indices = @transform_3, window_bounds = array<i64: 1, 128>}, {transform_indices = @transform_4, window_bounds = array<i64: 1, 1, 1000>}, {pipeline_mode = #tpu.pipeline_mode<synchronous>, transform_indices = @transform_5, window_bounds = array<i64: 64, 128>}]} {
    %eq3A = arith.constant 0 : i32
    %eq3A_0 = arith.cmpi eq, %arg0, %eq3A : i32
    %convert_element_type3A = arith.extui %eq3A_0 : i1 to i32
    %cond3A = arith.constant 0 : i32
    %cond3A_1 = arith.cmpi ne, %convert_element_type3A, %cond3A : i32
    scf.if %cond3A_1 {
      %broadcast_in_dim3A_55 = arith.constant 0.000000e+00 : f32
      %broadcast_in_dim3A_56 = vector.broadcast %broadcast_in_dim3A_55 : f32 to vector<128x128xf32>
      %swap3A_57 = arith.constant 0 : index
      %swap3A_58 = arith.constant 0 : index
      %swap3A_59 = vector.load %arg7[%swap3A_57, %swap3A_58] : memref<128x128xf32, #tpu.memory_space<vmem>>, vector<128x128xf32>
      tpu.vector_store %arg7[%swap3A_57, %swap3A_58], %broadcast_in_dim3A_56 {strides = array<i32>} : memref<128x128xf32, #tpu.memory_space<vmem>>, vector<128x128xf32>,
      %broadcast_in_dim3A_60 = arith.constant 0.000000e+00 : f32
      %broadcast_in_dim3A_61 = vector.broadcast %broadcast_in_dim3A_60 : f32 to vector<128x1xf32>
      %swap3A_62 = arith.constant 0 : index
      %swap3A_63 = arith.constant 0 : index
      %swap3A_64 = vector.load %arg8[%swap3A_62, %swap3A_63] : memref<128x1xf32, #tpu.memory_space<vmem>>, vector<128x1xf32>
      tpu.vector_store %arg8[%swap3A_62, %swap3A_63], %broadcast_in_dim3A_61 {strides = array<i32>} : memref<128x1xf32, #tpu.memory_space<vmem>>, vector<128x1xf32>,
    } else {
    }
    %get3A = arith.constant 0 : index
    %get3A_2 = arith.constant 0 : index
    %get3A_3 = vector.load %arg3[%get3A, %get3A_2] : memref<1000x1xf32, #tpu.memory_space<vmem>>, vector<1000x1xf32>
    %get3A_4 = arith.constant 0 : index
    %get3A_5 = arith.constant 0 : index
    %get3A_6 = arith.constant 0 : index
    %get3A_7 = vector.load %arg1[%get3A_4, %get3A_5, %get3A_6] : memref<2x1000x128xf32, #tpu.memory_space<vmem>>, vector<1x1000x128xf32>
    %get3A_8 = vector.shape_cast %get3A_7 : vector<1x1000x128xf32> to vector<1000x128xf32>
    %get3A_9 = arith.constant 1 : index
    %get3A_10 = arith.constant 0 : index
    %get3A_11 = arith.constant 0 : index
    %get3A_12 = vector.load %arg1[%get3A_9, %get3A_10, %get3A_11] : memref<2x1000x128xf32, #tpu.memory_space<vmem>>, vector<1x1000x128xf32>
    %get3A_13 = vector.shape_cast %get3A_12 : vector<1x1000x128xf32> to vector<1000x128xf32>
    %add3A = arith.addf %get3A_8, %get3A_13 : vector<1000x128xf32>
    %get3A_14 = arith.constant 0 : index
    %get3A_15 = arith.constant 0 : index
    %get3A_16 = vector.load %arg2[%get3A_14, %get3A_15] : memref<1000x128xf32, #tpu.memory_space<vmem>>, vector<1000x128xf32>
    %add3A_17 = arith.addf %add3A, %get3A_16 : vector<1000x128xf32>
    %mul3A = vector.broadcast %get3A_3 : vector<1000x1xf32> to vector<1000x128xf32>
    %mul3A_18 = arith.mulf %mul3A, %add3A_17 : vector<1000x128xf32>
    %get3A_19 = arith.constant 0 : index
    %get3A_20 = arith.constant 0 : index
    %get3A_21 = vector.load %arg4[%get3A_19, %get3A_20] : memref<1x128xf32, #tpu.memory_space<vmem>>, vector<1x128xf32>
    %add3A_22 = vector.broadcast %get3A_21 : vector<1x128xf32> to vector<1000x128xf32>
    %add3A_23 = arith.addf %mul3A_18, %add3A_22 : vector<1000x128xf32>
    %get3A_24 = arith.constant 0 : index
    %get3A_25 = arith.constant 0 : index
    %get3A_26 = arith.constant 0 : index
    %get3A_27 = vector.load %arg5[%get3A_24, %get3A_25, %get3A_26] : memref<1x1x1000xi32, #tpu.memory_space<vmem>>, vector<1x1x1000xi32>
    %get3A_28 = vector.shape_cast %get3A_27 : vector<1x1x1000xi32> to vector<1x1000xi32>
    %iota3A = tpu.iota {dimensions = array<i32: 0>} : vector<128x1000xi32>
    %eq3A_29 = vector.broadcast %get3A_28 : vector<1x1000xi32> to vector<128x1000xi32>
    %eq3A_30 = arith.cmpi eq, %eq3A_29, %iota3A : vector<128x1000xi32>
    %convert_element_type3A_31 = arith.extui %eq3A_30 : vector<128x1000xi1> to vector<128x1000xi32>
    %convert_element_type3A_32 = arith.sitofp %convert_element_type3A_31 : vector<128x1000xi32> to vector<128x1000xf32>
    %get3A_33 = arith.constant 0 : index
    %get3A_34 = arith.constant 0 : index
    %get3A_35 = vector.load %arg7[%get3A_33, %get3A_34] : memref<128x128xf32, #tpu.memory_space<vmem>>, vector<128x128xf32>
    %dot_general3A = arith.constant dense<0.000000e+00> : vector<128x128xf32>
    %dot_general3A_36 = tpu.matmul %convert_element_type3A_32, %add3A_23, %dot_general3A {dimension_numbers = #tpu.dot_dimension_numbers<[1], [0], [0], [1], [0, 0, 1, 1], [], []>, transpose_lhs_hint = false} : vector<128x1000xf32>, vector<1000x128xf32>, vector<128x128xf32> -> vector<128x128xf32>
    %add3A_37 = arith.addf %get3A_35, %dot_general3A_36 : vector<128x128xf32>
    %swap3A = arith.constant 0 : index
    %swap3A_38 = arith.constant 0 : index
    %swap3A_39 = vector.load %arg7[%swap3A, %swap3A_38] : memref<128x128xf32, #tpu.memory_space<vmem>>, vector<128x128xf32>
    tpu.vector_store %arg7[%swap3A, %swap3A_38], %add3A_37 {strides = array<i32>} : memref<128x128xf32, #tpu.memory_space<vmem>>, vector<128x128xf32>,
    %get3A_40 = arith.constant 0 : index
    %get3A_41 = arith.constant 0 : index
    %get3A_42 = vector.load %arg8[%get3A_40, %get3A_41] : memref<128x1xf32, #tpu.memory_space<vmem>>, vector<128x1xf32>
    %broadcast_in_dim3A = arith.constant 1.000000e+00 : f32
    %broadcast_in_dim3A_43 = vector.broadcast %broadcast_in_dim3A : f32 to vector<1000x1xf32>
    %dot_general3A_44 = arith.constant dense<0.000000e+00> : vector<128x1xf32>
    %dot_general3A_45 = tpu.matmul %convert_element_type3A_32, %broadcast_in_dim3A_43, %dot_general3A_44 {dimension_numbers = #tpu.dot_dimension_numbers<[1], [0], [0], [1], [0, 0, 1, 1], [], []>, transpose_lhs_hint = false} : vector<128x1000xf32>, vector<1000x1xf32>, vector<128x1xf32> -> vector<128x1xf32>
    %add3A_46 = arith.addf %get3A_42, %dot_general3A_45 : vector<128x1xf32>
    %swap3A_47 = arith.constant 0 : index
    %swap3A_48 = arith.constant 0 : index
    %swap3A_49 = vector.load %arg8[%swap3A_47, %swap3A_48] : memref<128x1xf32, #tpu.memory_space<vmem>>, vector<128x1xf32>
    tpu.vector_store %arg8[%swap3A_47, %swap3A_48], %add3A_46 {strides = array<i32>} : memref<128x1xf32, #tpu.memory_space<vmem>>, vector<128x1xf32>,
    %eq3A_50 = arith.constant 9 : i32
    %eq3A_51 = arith.cmpi eq, %arg0, %eq3A_50 : i32
    %convert_element_type3A_52 = arith.extui %eq3A_51 : i1 to i32
    %cond3A_53 = arith.constant 0 : i32
    %cond3A_54 = arith.cmpi ne, %convert_element_type3A_52, %cond3A_53 : i32
    scf.if %cond3A_54 {
      %get3A_55 = arith.constant 0 : index
      %get3A_56 = arith.constant 0 : index
      %get3A_57 = vector.load %arg7[%get3A_55, %get3A_56] : memref<128x128xf32, #tpu.memory_space<vmem>>, vector<64x128xf32>
      %get3A_58 = arith.constant 0 : index
      %get3A_59 = arith.constant 0 : index
      %get3A_60 = vector.load %arg8[%get3A_58, %get3A_59] : memref<128x1xf32, #tpu.memory_space<vmem>>, vector<64x1xf32>
      %max3A = arith.constant 1.000000e+00 : f32
      %max3A_61 = vector.broadcast %max3A : f32 to vector<64x1xf32>
      %max3A_62 = arith.maximumf %get3A_60, %max3A_61 : vector<64x1xf32>
      %div3A = vector.broadcast %max3A_62 : vector<64x1xf32> to vector<64x128xf32>
      %div3A_63 = arith.divf %get3A_57, %div3A : vector<64x128xf32>
      %swap3A_64 = arith.constant 0 : index
      %swap3A_65 = arith.constant 0 : index
      %swap3A_66 = vector.load %arg6[%swap3A_64, %swap3A_65] : memref<64x128xf32, #tpu.memory_space<vmem>>, vector<64x128xf32>
      tpu.vector_store %arg6[%swap3A_64, %swap3A_65], %div3A_63 {strides = array<i32>} : memref<64x128xf32, #tpu.memory_space<vmem>>, vector<64x128xf32>,
    } else {
    }
    return
  }
  func.func @transform_0(%arg0: i32) -> (i32, i32, i32) {
    %c0_i32 = arith.constant 0 : i32
    %c0_i32_0 = arith.constant 0 : i32
    %c0_i32_1 = arith.constant 0 : i32
    return %c0_i32, %arg0, %c0_i32_0 : i32, i32, i32
  }
  func.func @transform_1(%arg0: i32) -> (i32, i32) {
    %c0_i32 = arith.constant 0 : i32
    %c0_i32_0 = arith.constant 0 : i32
    return %arg0, %c0_i32 : i32, i32
  }
  func.func @transform_2(%arg0: i32) -> (i32, i32) {
    %c0_i32 = arith.constant 0 : i32
    %c0_i32_0 = arith.constant 0 : i32
    return %arg0, %c0_i32 : i32, i32
  }
  func.func @transform_3(%arg0: i32) -> (i32, i32) {
    %c0_i32 = arith.constant 0 : i32
    %c0_i32_0 = arith.constant 0 : i32
    %c0_i32_1 = arith.constant 0 : i32
    return %c0_i32, %c0_i32_0 : i32, i32
  }
  func.func @transform_4(%arg0: i32) -> (i32, i32, i32) {
    %c0_i32 = arith.constant 0 : i32
    %c0_i32_0 = arith.constant 0 : i32
    %c0_i32_1 = arith.constant 0 : i32
    return %arg0, %c0_i32, %c0_i32_0 : i32, i32, i32
  }
  func.func @transform_5(%arg0: i32) -> (i32, i32) {
    %c0_i32 = arith.constant 0 : i32
    %c0_i32_0 = arith.constant 0 : i32
    %c0_i32_1 = arith.constant 0 : i32
    return %c0_i32, %c0_i32_0 : i32, i32
  }
}

</mosaic_0001>

<sc_bundles>
// kernel: kernel.11.cloned.1.call-start
scs
__scs_entry_jumppad:
0x0: {  	(pc) =	sbr.rel $0x88, $3  }
0x1: {  	(tag) =	ssettag $0x0;
	lr =	simm.s32 $0x1  }
0x2: {  	[smem:$0x3F9A] =	sst lr;
	_ =	strace $0xD0000000  }
0x3: {  	_ = 	snop  }
0x4: {  	_ = 	snop  }
0x5: {  	_ = 	snop  }
0x6: {  	_ = 	snop  }
0x7: {  	_ = 	snop  }
__scs_overlays_trampoline_lowered:
0x8: {  	[smem:$0x3FA9] =	sst s0  }
0x9: {  	[smem:$0x3FAA] =	sst s1  }
0xa: {  	[smem:$0x3FAB] =	sst s2  }
0xb: {  	[smem:$0x3FAC] =	sst s3  }
0xc: {  	[smem:$0x3FAD] =	sst s4  }
0xd: {  	[smem:$0x3FAE] =	sst s5  }
0xe: {  	[smem:$0x3FAF] =	sst s6  }
0xf: {  	[smem:$0x3FB0] =	sst s7  }
0x10: {  	[smem:$0x3FB1] =	sst s8  }
0x11: {  	[smem:$0x3FB2] =	sst s9;
	s0 =	simm.s32 @!p0 $0x0  }
0x12: {  	s1 =	sld [smem:$0x3F98];
	s0 =	simm.s32 @p0 $0x1  }
0x13: {  	[smem:$0x3FB3] =	sst s0;
	s0 =	simm.s32 @!p1 $0x0  }
0x14: {  	s2 =	sld [smem:$0x3F97];
	s0 =	simm.s32 @p1 $0x1  }
0x15: {  	[smem:$0x3FB4] =	sst s0;
	s0 =	simm.s32 @!p2 $0x0  }
0x16: {  	s3 =	sld [smem:$0x3FDB];
	s0 =	simm.s32 @p2 $0x1  }
0x17: {  	s4 =	simm.s32 $0x1BF5;
	[smem:$0x3FB6] =	sst s0  }
0x18: {  	s0 =	sld [smem:$0x3F99];
	_ =	swait.ge [sflag:s4], $0x0  }
0x19: {  	s7 =	sld [smem:$0x3F9A]  }
0x1a: {  	s8 =	sadd.s32 $0xFFFFE003, lr  }
0x1b: {  	s9 =	sadd.s32 $0xFFFFFEF7, lr;
	s5 =	simm.s32 $0xFFFFFFFF;
	p2 =	slt.u32 s8, $0xFFFFF086  }
0x1c: {  	p1 =	slt.u32 s9, $0xF7A;
	s5 =	simm.s32 @!p2 $0x0  }
0x1d: {  	s5 =	simm.s32 @p1 $0x1;
	p0 =	seq.s32 s7, s2  }
0x1e: {  	s7 =	smul.u32 @!p0 $0xF7A, s2;
	p2 =	seq.s32 @!p0 s5, $0x0  }
0x1f: {  	s9 =	smul.u32 $0xF7A, s1;
	s8 =	simm.s32 @!p0 $0x1BF5;
	p2 =	por !p2, p0  }
0x20: {  	[sflag:s8] =	ssyncset.s32 @!p0 $0xFFFFF086;
	s6 =	sadd.s32 @!p0 s3, s7;
	s7 =	simm.s32 @!p0 $0x108  }
0x21: {  	s3 =	sadd.s32 s3, s9;
	s6 =	sadd.s32 @!p0 $0x88, s6;
	s7 =	simm.s32 @p2 $0x1082  }
0x22: {  	[simem:s7], [sflag:s8] =	dma.local @!p0 [hbm:s6], $0xF7A  }
0x23: {  	s9 =	sor.u32 $0xD0000000, s2;
	s6 =	simm.s32 $0x108;
	_ =	swait.ge @!p0 [sflag:s8], $0x0  }
0x24: {  	s3 =	sadd.s32 $0x88, s3;
	s6 =	simm.s32 @!p1 $0x1082;
	[sflag:s4] =	ssyncset.s32 $0xFFFFF086  }
0x25: {  	[simem:s6], [sflag:s4] =	dma.local [hbm:s3], $0xF7A  }
0x26: {  	[smem:$0x3F9A] =	sst s1;
	(tag) =	ssettag s2;
	_ =	strace s9  }
0x27: {  	s1 =	sld [smem:$0x3FAA]  }
0x28: {  	s2 =	sld [smem:$0x3FAB]  }
0x29: {  	s4 =	sld [smem:$0x3FAD]  }
0x2a: {  	p0 =	seq.s32 s5, $0x0;
	s5 =	sld [smem:$0x3FAE]  }
0x2b: {  	s6 =	sld [smem:$0x3FAF]  }
0x2c: {  	s7 =	sld [smem:$0x3FB0]  }
0x2d: {  	s3 =	simm.s32 $0x108;
	s8 =	sld [smem:$0x3FB1]  }
0x2e: {  	s3 =	simm.s32 @!p0 $0x1082;
	s9 =	sld [smem:$0x3FB2]  }
0x2f: {  	lr =	sadd.s32 s0, s3;
	s0 =	sld [smem:$0x3FA9]  }
0x30: {  	s3 =	sld [smem:$0x3FAC]  }
0x31: {  	[smem:$0x3FB5] =	sst s10  }
0x32: {  	s10 =	sld [smem:$0x3FB3];
	_ =	sdelay $0x3  }
0x33: {  	p0 =	seq.s32 s10, $0x1;
	s10 =	sld [smem:$0x3FB5];
	_ =	sdelay $0x3  }
0x34: {  	[smem:$0x3FB5] =	sst s10  }
0x35: {  	s10 =	sld [smem:$0x3FB4];
	_ =	sdelay $0x3  }
0x36: {  	p1 =	seq.s32 s10, $0x1;
	s10 =	sld [smem:$0x3FB5];
	_ =	sdelay $0x3  }
0x37: {  	[smem:$0x3FB5] =	sst s10  }
0x38: {  	s10 =	sld [smem:$0x3FB6]  }
0x39: {  	_ = 	snop;
	(pc) =	sbr.ind lr, $3  }
0x3a: {  	_ = 	snop  }
0x3b: {  	_ = 	snop  }
0x3c: {  	p2 =	seq.s32 s10, $0x1;
	s10 =	sld [smem:$0x3FB5]  }
0x3d: {  	_ =	shalt  }
0x3e: {  	_ =	shalt  }
0x3f: {  	_ =	shalt  }
0x40: {  	_ =	shalt  }
0x41: {  	_ =	shalt  }
0x42: {  	_ =	shalt  }
0x43: {  	_ =	shalt  }
0x44: {  	_ =	shalt  }
0x45: {  	_ =	shalt  }
0x46: {  	_ =	shalt  }
0x47: {  	_ =	shalt  }
0x48: {  	_ =	shalt  }
0x49: {  	_ =	shalt  }
0x4a: {  	_ =	shalt  }
0x4b: {  	_ =	shalt  }
0x4c: {  	_ =	shalt  }
0x4d: {  	_ =	shalt  }
0x4e: {  	_ =	shalt  }
0x4f: {  	_ =	shalt  }
0x50: {  	_ =	shalt  }
0x51: {  	_ =	shalt  }
0x52: {  	_ =	shalt  }
0x53: {  	_ =	shalt  }
0x54: {  	_ =	shalt  }
0x55: {  	_ =	shalt  }
0x56: {  	_ =	shalt  }
0x57: {  	_ =	shalt  }
0x58: {  	_ =	shalt  }
0x59: {  	_ =	shalt  }
0x5a: {  	_ =	shalt  }
0x5b: {  	_ =	shalt  }
0x5c: {  	_ =	shalt  }
0x5d: {  	_ =	shalt  }
0x5e: {  	_ =	shalt  }
0x5f: {  	_ =	shalt  }
0x60: {  	_ =	shalt  }
0x61: {  	_ =	shalt  }
0x62: {  	_ =	shalt  }
0x63: {  	_ =	shalt  }
0x64: {  	_ =	shalt  }
0x65: {  	_ =	shalt  }
0x66: {  	_ =	shalt  }
0x67: {  	_ =	shalt  }
0x68: {  	_ =	shalt  }
0x69: {  	_ =	shalt  }
0x6a: {  	_ =	shalt  }
0x6b: {  	_ =	shalt  }
0x6c: {  	_ =	shalt  }
0x6d: {  	_ =	shalt  }
0x6e: {  	_ =	shalt  }
0x6f: {  	_ =	shalt  }
0x70: {  	_ =	shalt  }
0x71: {  	_ =	shalt  }
0x72: {  	_ =	shalt  }
0x73: {  	_ =	shalt  }
0x74: {  	_ =	shalt  }
0x75: {  	_ =	shalt  }
0x76: {  	_ =	shalt  }
0x77: {  	_ =	shalt  }
0x78: {  	_ =	shalt  }
0x79: {  	_ =	shalt  }
0x7a: {  	_ =	shalt  }
0x7b: {  	_ =	shalt  }
0x7c: {  	_ =	shalt  }
0x7d: {  	_ =	shalt  }
0x7e: {  	_ =	shalt  }
0x7f: {  	_ =	shalt  }
0x80: {  	_ =	shalt  }
0x81: {  	_ =	shalt  }
0x82: {  	_ =	shalt  }
0x83: {  	_ =	shalt  }
0x84: {  	_ =	shalt  }
0x85: {  	_ =	shalt  }
0x86: {  	_ =	shalt  }
0x87: {  	_ =	shalt  }
.Lfunc_end0:
.L_simem_size_0:
called_computation.1_lowered:
.L_overlay_start_0:
0x88: {  	s2 =	sld [smem:$0x3FD9]  }
0x89: {  	s3 =	sld [smem:$0x3FFE];
	_ =	sdelay $0x1  }
0x8a: {  	s1 =	srdreg.scid  }
0x8b: {  	s0 =	sand.u32 $0x1, s1  }
0x8c: {  	s16 =	sshll.u32 s0, $0xA;
	s2 =	sadd.s32 s3, s2  }
0x8d: {  	s2 =	sadd.s32 s2, s16  }
0x8e: {  	[smem:$0x3FC1] =	sst s2  }
0x8f: {  	_ = 	snop  }
0x90: {  	(tm) =	ssettm $0x1  }
0x91: {  	s17 =	sld [smem:$0x3FFB];
	_ =	sdelay $0x3  }
0x92: {  	_ =	strace s17  }
0x93: {  	s2 =	sld [smem:$0x3FFC];
	_ =	sdelay $0x3  }
0x94: {  	_ =	strace s2  }
0x95: {  	s2 =	sld [smem:$0x3FFD];
	_ =	sdelay $0x3  }
0x96: {  	_ =	strace s2  }
0x97: {  	_ =	strace $0x8FFFFFFF  }
0x98: {  	s18 =	sld [smem:$0x3FDB];
	_ =	sdelay $0x1  }
0x99: {  	s19 =	simm.s32 $_scs_section_size  }
0x9a: {  	s4 =	simm.s32 $_size__tile_overlayer_lowered;
	s5 =	simm.s32 $_tile_overlayer_lowered  }
0x9b: {  	s22 =	simm.s32 $0x1BFF;
	s21 =	sshll.u32 s5, $0x1;
	s2 =	sadd.s32 s19, s18  }
0x9c: {  	s6 =	simm.s32 $0x0;
	s20 =	sshll.u32 s4, $0x1;
	s4 =	sadd.s32 s21, s2  }
0x9d: {  	[timem:s6], [sflag:s22] =	dma.local [hbm:s4], s20  }
0x9e: {  	_ =	swait.ge [sflag:s22], s20  }
0x9f: {  	s3 =	ssub.s32 $0x0, s20;
	[sflag:s22] =	ssyncset.done $0x0  }
0xa0: {  	[sflag:s22] =	ssyncadd.s32 s3;
	_ =	sdelay $0x1  }
0xa1: {  	s23 =	simm.s32 $0x1B8B  }
0xa2: {  	_ =	swait.ge [sflag:s23], $0x1  }
0xa3: {  	[sflag:s23] =	ssyncset.done $0x0  }
0xa4: {  	s25 =	simm.s32 $0x1B8E;
	s24 =	sld [smem:$0x3FFE];
	[sflag:s23] =	ssyncadd.s32 $0xFFFFFFFF  }
0xa5: {  	s26 =	simm.s32 $execute0_lowered;
	[smem:$0x3FD2] =	sst s25  }
0xa6: {  	s4 =	sshll.u32 s26, $0x1;
	_ =	strace $0x80000049;
	[dreg:$0x1] =	wrdreg $0xFFFFFFFF  }
0xa7: {  	s28 =	simm.s32 $_size_execute0_lowered;
	s2 =	sadd.s32 s2, s4;
	[dreg:$0x0] =	wrdreg $0x0  }
0xa8: {  	s4 =	sshll.u32 s28, $0x1;
	[dreg:$0x2] =	wrdreg s2  }
0xa9: {  	[dreg:$0x3] =	wrdreg s4  }
0xaa: {  	[dreg:$0x4] =	wrdreg $0xC0  }
0xab: {  	_ =	task [dreg:s6], $0x5FFFF  }
0xac: {  	[dreg:$0x1] =	wrdreg $0xFFFFFFFF  }
0xad: {  	[dreg:$0x0] =	wrdreg $0x60  }
0xae: {  	[dreg:$0x2] =	wrdreg s24  }
0xaf: {  	[dreg:$0x3] =	wrdreg $0x82000  }
0xb0: {  	[dreg:$0x4] =	wrdreg $0x9  }
0xb1: {  	_ =	task.clear_ibuf [dreg:s6], $0x5FFFF;
	_ =	strace $0x90000049  }
0xb2: {  	s29 =	simm.s32 $0x9;
	_ =	strace $0x8000004B  }
0xb3: {  	_ =	swait.ge [sflag:s29], $0x1  }
0xb4: {  	[sflag:s29] =	ssyncadd.s32 $0xFFFFFFFF  }
0xb5: {  	_ =	strace $0x9000004B  }
0xb6: {  	_ =	sfence  }
0xb7: {  	s30 =	sld [smem:$0x0];
	_ =	sdelay $0x2  }
0xb8: {  	s31 =	sshll.u32 s1, $0xD;
	s1 =	sshrl.u32 s1, $0x2  }
0xb9: {  	s3 =	sand.u32 $0x4000, s31;
	s1 =	sadd.s32 s1, s30  }
0xba: {  	s0 =	sor.u32 s3, s0;
	s1 =	sshll.u32 s1, $0x11  }
0xbb: {  	s0 =	sor.u32 s1, s0  }
0xbc: {  	s0 =	sadd.s32 $0x8F2B, s0  }
0xbd: {  	[sflag:s0] =	ssyncadd.remote.s32 $0x1  }
0xbe: {  	_ =	sfence.sel $0xFFFF  }
0xbf: {  	[dreg:$0x0] =	wrdreg $0xFFFFFFFF;
	(pc) =	sbr.abs _section_cstart, $3  }
0xc0: {  	[dreg:$0x1] =	wrdreg $0xFFFFFFFF  }
0xc1: {  	_ =	task.clear_ibuf [dreg:s6], $0x2FFFF;
	_ =	strace $0x9FFFFFFF  }
0xc2: {  	(tm) =	ssettm $0x7FFFFFFF  }
0xc3: {  	_ =	shalt  }
tec
execute0_lowered:
.L_overlay_start_1:
0x0: {  	(tag) =	ssettag $0x1  }
0x1: {  	s7 =	rddreg [dreg:$0x0]  }
0x2: {  	s2 =	rddreg [dreg:$0x1]  }
0x3: {  	s0 =	rddreg [dreg:$0x2];
	s3 =	simm.s32 $0x0;
	s1 =	stileid.u32  }
0x4: {  	s5 =	srdreg.scid;
	s18 =	simm.s32 $0x80;
	s19 =	simm.s32 $0x200  }
0x5: {  	s20 =	simm.s32 $0x100;
	s21 =	simm.s32 $0x180;
	s22 =	simm.s32 $0x1  }
0x6: {  	s23 =	simm.s32 $0x4200;
	s24 =	simm.s32 $0x0;
	[smem:$0x7FF] =	sst s3  }
0x7: {  	s8 =	smul.u32 $0x14000, s1;
	s4 =	sadd.s32 $0x84600, s7;
	s9 =	sand.u32 $0x1, s5  }
0x8: {  	s5 =	sadd.s32 $0x2000, s7;
	s6 =	sadd.s32 $0x33E00, s7;
	s25 =	smul.u32 $0x50000, s1  }
0x9: {  	s29 =	smul.u32 $0x2780, s1;
	s30 =	sshll.u32 s1, $0x6;
	_ =	strace $0x8000004A  }
0xa: {  	s11 =	smul.u32 $0x140000, s9;
	s12 =	sshll.u32 s9, $0x4;
	s13 =	ssub.s32 $0x2, s9  }
0xb: {  	s9 =	smul.u32 $0x27800, s9;
	s10 =	sshrl.u32 s8, $0x3;
	s12 =	sor.u32 s1, s12  }
0xc: {  	s26 =	sshrl.u32 s13, $0x1;
	s28 =	sshrl.u32 s25, $0x2;
	s10 =	sadd.s32 s10, s7  }
0xd: {  	s8 =	sadd.s32 s8, s11;
	s12 =	smul.u32 $0x2780, s12;
	s13 =	ssub.s32 s13, s26  }
0xe: {  	s16 =	sadd.s32 s28, s2;
	s15 =	sadd.s32 s29, s9;
	s8 =	sshrl.u32 s8, $0x3  }
0xf: {  	s17 =	sadd.s32 $0x80, s15;
	s16 =	sshrl.u32 s16, $0x3;
	s14 =	sadd.s32 s8, s7  }
0x10: {  	s7 =	sadd.s32 $0xBE00, s10;
	s8 =	sor.u32 $0x1C02, s30;
	s31 =	sshrl.u32 s12, $0x3  }
0x11: {  	s12 =	smax.u32 s13, $0x1;
	s17 =	sshrl.u32 s17, $0x3;
	s13 =	sadd.s32 $0x100, s15  }
0x12: {  	s9 =	sadd.s32 s4, s31;
	s10 =	sadd.s32 s5, s31;
	s11 =	sadd.s32 $0x8E400, s14  }
0x13: {  	s14 =	sadd.s32 s17, s5;
	s15 =	sadd.s32 s17, s4;
	s17 =	simm.s32 $0x2  }
.LBB2_1:
0x14: {  	[spmem:s16], [sflag:s8] =	dma.local [hbm:s7], $0x2800  }
0x15: {  	_ =	swait.ge [sflag:s17], $0x2800  }
0x16: {  	[sflag:s17] =	ssyncset.done $0x0  }
0x17: {  	[sflag:s17] =	ssyncadd.s32 $0xFFFFD800  }
0x18: {  	[bflag:$0x0] =	sbarrier.arrive $0xFFFF  }
0x19: {  	[tilespmem:s3], [sflag:$0x2] =	stream.linear.gather [hbm4b:s9+s3], $0x80, $0x38;
	[tilespmem:$0x1C200] =	vst v63  }
0x1a: {  	_ =	swait.ge [sflag:s17], $0x80  }
0x1b: {  	[sflag:s17] =	ssyncset.done $0x0  }
0x1c: {  	[sflag:s17] =	ssyncadd.s32 $0xFFFFFF80  }
0x1d: {  	[tilespmem:s18], [sflag:$0x2] =	stream.linear.gather [hbm4b:s10+s3], $0x80, $0x38;
	[tilespmem:$0x1C200] =	vst v63  }
0x1e: {  	_ =	swait.ge [sflag:s17], $0x80  }
0x1f: {  	[sflag:s17] =	ssyncset.done $0x0  }
0x20: {  	[sflag:s17] =	ssyncadd.s32 $0xFFFFFF80  }
0x21: {  	[tilespmem:s19], [sflag:$0x1] =	stream.indirect.gather [hbm4b:s6+s18], $0x80, s3, s18, $0xb8;
	[tilespmem:$0x1C200] =	vst v63  }
0x22: {  	s25 =	sadd.s32 $0x0, s15  }
0x23: {  	[tilespmem:s20], [sflag:$0x2] =	stream.linear.gather [hbm4b:s25+s3], $0x80, $0x38;
	[tilespmem:$0x1C200] =	vst v63  }
0x24: {  	_ =	swait.ge [sflag:s17], $0x80  }
0x25: {  	[sflag:s17] =	ssyncset.done $0x0  }
0x26: {  	s30 =	sadd.s32 $0x0, s14;
	[sflag:s17] =	ssyncadd.s32 $0xFFFFFF80  }
0x27: {  	[tilespmem:s21], [sflag:$0x2] =	stream.linear.gather [hbm4b:s30+s3], $0x80, $0x38;
	[tilespmem:$0x1C200] =	vst v63  }
0x28: {  	_ =	swait.ge [sflag:s17], $0x80  }
0x29: {  	[sflag:s17] =	ssyncset.done $0x0  }
0x2a: {  	[sflag:s17] =	ssyncadd.s32 $0xFFFFFF80  }
0x2b: {  	_ =	swait.ge [sflag:s22], $0x4000  }
0x2c: {  	[sflag:s22] =	ssyncset.done $0x0  }
0x2d: {  	[sflag:s22] =	ssyncadd.s32 $0xFFFFC000  }
0x2e: {  	[tilespmem:s23], [sflag:$0x1] =	stream.indirect.gather [hbm4b:s6+s18], $0x80, s20, s18, $0xb8;
	[tilespmem:$0x1C200] =	vst v63  }
0x2f: {  	_ = 	snop  }
0x30: {  	[spmem:s2] =	stream.indirect.scatter.add.f32 [tilespmem:s19], [sflag:$0x2], $0x80, s18, s18, $0xb8;
	[tilespmem:$0x1C200] =	vst v63  }
0x31: {  	_ =	swait.ge [sflag:s17], $0x4000  }
0x32: {  	s31 =	sshrl.u32 s13, $0x3;
	[sflag:s17] =	ssyncset.done $0x0  }
0x33: {  	s26 =	sadd.s32 s4, s31;
	[sflag:s17] =	ssyncadd.s32 $0xFFFFC000  }
0x34: {  	[tilespmem:s3], [sflag:$0x2] =	stream.linear.gather [hbm4b:s26+s3], $0x80, $0x38;
	[tilespmem:$0x1C200] =	vst v63  }
0x35: {  	_ =	swait.ge [sflag:s17], $0x80  }
0x36: {  	[sflag:s17] =	ssyncset.done $0x0  }
0x37: {  	s25 =	sadd.s32 s5, s31;
	[sflag:s17] =	ssyncadd.s32 $0xFFFFFF80  }
0x38: {  	[tilespmem:s18], [sflag:$0x2] =	stream.linear.gather [hbm4b:s25+s3], $0x80, $0x38;
	[tilespmem:$0x1C200] =	vst v63  }
0x39: {  	_ =	swait.ge [sflag:s17], $0x80  }
0x3a: {  	[sflag:s17] =	ssyncset.done $0x0  }
0x3b: {  	[sflag:s17] =	ssyncadd.s32 $0xFFFFFF80  }
0x3c: {  	_ =	swait.ge [sflag:s22], $0x4000  }
0x3d: {  	[sflag:s22] =	ssyncset.done $0x0  }
0x3e: {  	[sflag:s22] =	ssyncadd.s32 $0xFFFFC000  }
0x3f: {  	[tilespmem:s19], [sflag:$0x1] =	stream.indirect.gather [hbm4b:s6+s18], $0x80, s3, s18, $0xb8;
	[tilespmem:$0x1C200] =	vst v63  }
0x40: {  	_ = 	snop  }
0x41: {  	[spmem:s2] =	stream.indirect.scatter.add.f32 [tilespmem:s23], [sflag:$0x2], $0x80, s21, s18, $0xb8;
	[tilespmem:$0x1C200] =	vst v63  }
0x42: {  	_ =	swait.ge [sflag:s17], $0x4000  }
0x43: {  	s26 =	smov.u32 s13;
	s25 =	simm.s32 $0x20;
	[sflag:s17] =	ssyncset.done $0x0  }
.LBB2_2:
0x44: {  	p0 =	sne.s32 s25, $0x4C0;
	[sflag:s17] =	ssyncadd.s32 $0xFFFFC000;
	s26 =	sadd.s32 $0x100, s26  }
0x45: {  	s28 =	sadd.s32 s25, s15;
	s29 =	smov.u32 s25;
	s25 =	sadd.s32 $0x20, s25  }
0x46: {  	[tilespmem:s20], [sflag:$0x2] =	stream.linear.gather [hbm4b:s28+s3], $0x80, $0x38;
	[tilespmem:$0x1C200] =	vst v63  }
0x47: {  	_ =	swait.ge [sflag:s17], $0x80  }
0x48: {  	[sflag:s17] =	ssyncset.done $0x0  }
0x49: {  	s28 =	sadd.s32 s29, s14;
	[sflag:s17] =	ssyncadd.s32 $0xFFFFFF80  }
0x4a: {  	[tilespmem:s21], [sflag:$0x2] =	stream.linear.gather [hbm4b:s28+s3], $0x80, $0x38;
	[tilespmem:$0x1C200] =	vst v63  }
0x4b: {  	_ =	swait.ge [sflag:s17], $0x80  }
0x4c: {  	[sflag:s17] =	ssyncset.done $0x0  }
0x4d: {  	[sflag:s17] =	ssyncadd.s32 $0xFFFFFF80  }
0x4e: {  	_ =	swait.ge [sflag:s22], $0x4000  }
0x4f: {  	[sflag:s22] =	ssyncset.done $0x0  }
0x50: {  	[sflag:s22] =	ssyncadd.s32 $0xFFFFC000  }
0x51: {  	[tilespmem:s23], [sflag:$0x1] =	stream.indirect.gather [hbm4b:s6+s18], $0x80, s20, s18, $0xb8;
	[tilespmem:$0x1C200] =	vst v63  }
0x52: {  	_ = 	snop  }
0x53: {  	[spmem:s2] =	stream.indirect.scatter.add.f32 [tilespmem:s19], [sflag:$0x2], $0x80, s18, s18, $0xb8;
	[tilespmem:$0x1C200] =	vst v63  }
0x54: {  	_ =	swait.ge [sflag:s17], $0x4000  }
0x55: {  	s28 =	sshrl.u32 s26, $0x3;
	[sflag:s17] =	ssyncset.done $0x0  }
0x56: {  	s29 =	sadd.s32 s4, s28;
	[sflag:s17] =	ssyncadd.s32 $0xFFFFC000  }
0x57: {  	[tilespmem:s3], [sflag:$0x2] =	stream.linear.gather [hbm4b:s29+s3], $0x80, $0x38;
	[tilespmem:$0x1C200] =	vst v63  }
0x58: {  	_ =	swait.ge [sflag:s17], $0x80  }
0x59: {  	[sflag:s17] =	ssyncset.done $0x0  }
0x5a: {  	s28 =	sadd.s32 s5, s28;
	[sflag:s17] =	ssyncadd.s32 $0xFFFFFF80  }
0x5b: {  	[tilespmem:s18], [sflag:$0x2] =	stream.linear.gather [hbm4b:s28+s3], $0x80, $0x38;
	[tilespmem:$0x1C200] =	vst v63  }
0x5c: {  	_ =	swait.ge [sflag:s17], $0x80  }
0x5d: {  	[sflag:s17] =	ssyncset.done $0x0  }
0x5e: {  	[sflag:s17] =	ssyncadd.s32 $0xFFFFFF80  }
0x5f: {  	_ =	swait.ge [sflag:s22], $0x4000  }
0x60: {  	[sflag:s22] =	ssyncset.done $0x0  }
0x61: {  	[sflag:s22] =	ssyncadd.s32 $0xFFFFC000  }
0x62: {  	[tilespmem:s19], [sflag:$0x1] =	stream.indirect.gather [hbm4b:s6+s18], $0x80, s3, s18, $0xb8;
	[tilespmem:$0x1C200] =	vst v63  }
.Ltmp0:
0x63: {  	_ = 	snop;
	(pc) =	sbr.rel @p0 .LBB2_2-.Ltmp0, $4  }
0x64: {  	_ = 	snop  }
0x65: {  	[spmem:s2] =	stream.indirect.scatter.add.f32 [tilespmem:s23], [sflag:$0x2], $0x80, s21, s18, $0xb8;
	[tilespmem:$0x1C200] =	vst v63  }
0x66: {  	_ =	swait.ge [sflag:s17], $0x4000  }
0x67: {  	[sflag:s17] =	ssyncset.done $0x0  }
0x68: {  	[sflag:s17] =	ssyncadd.s32 $0xFFFFC000  }
0x69: {  	_ =	swait.ge [sflag:s22], $0x4000  }
0x6a: {  	[sflag:s22] =	ssyncset.done $0x0  }
0x6b: {  	[sflag:s22] =	ssyncadd.s32 $0xFFFFC000  }
0x6c: {  	[spmem:s2] =	stream.indirect.scatter.add.f32 [tilespmem:s19], [sflag:$0x2], $0x80, s18, s18, $0xb8;
	[tilespmem:$0x1C200] =	vst v63  }
0x6d: {  	_ =	swait.ge [sflag:s17], $0x4000  }
0x6e: {  	s24 =	sadd.s32 $0x1, s24;
	[sflag:s17] =	ssyncset.done $0x0  }
0x6f: {  	p0 =	sne.s32 s24, s12;
	[sflag:s17] =	ssyncadd.s32 $0xFFFFC000  }
.Ltmp1:
0x70: {  	[bflag:$0x0] =	sbarrier.arrive $0xFFFF;
	(pc) =	sbr.rel @p0 .LBB2_1-.Ltmp1, $4  }
0x71: {  	[hbm:s11], [sflag:s8] =	dma.local [spmem:s16], $0x2800  }
0x72: {  	_ =	swait.ge [sflag:s17], $0x2800  }
0x73: {  	[sflag:s17] =	ssyncset.done $0x0  }
0x74: {  	[sflag:s17] =	ssyncadd.s32 $0xFFFFD800  }
0x75: {  	_ =	sfence.sel $0x180000  }
0x76: {  	[bflag:$0x0] =	sbarrier.arrive $0xFFFF  }
0x77: {  	p0 =	sne.s32 s1, $0x0;
	_ =	strace $0x9000004A  }
0x78: {  	s0 =	sadd.s32 @!p0 $0x100000, s0;
	[bflag:$0x2] =	sbarrier.arrive $0xFFFF  }
0x79: {  	[sflag:s0] =	ssyncadd.tile.s32 @!p0 $0x1;
	_ =	shalt  }
.Lfunc_end2:
_tile_overlayer_lowered:
.L_overlay_start_2:
0x7a: {  	(tag) =	ssettag $0x2  }
0x7b: {  	s0 =	rddreg [dreg:$0x0];
	s2 =	stileid.u32  }
0x7c: {  	s1 =	rddreg [dreg:$0x1];
	p0 =	sne.s32 s2, $0x0  }
0x7d: {  	s3 =	rddreg [dreg:$0x2];
	[bflag:$0x3] =	sbarrier.arrive $0xFFFF;
	s2 =	simm.s32 @!p0 $0x1C02  }
0x7e: {  	[timem:s3], [sflag:s2] =	dma.local @!p0 [hbm:s0], s1  }
0x7f: {  	s0 =	simm.s32 @!p0 $0x2  }
0x80: {  	_ =	swait.ge @!p0 [sflag:s0], s1  }
0x81: {  	s1 =	ssub.s32 @!p0 $0x0, s1;
	[sflag:s0] =	ssyncset.done @!p0 $0x0  }
0x82: {  	[sflag:s0] =	ssyncadd.s32 @!p0 s1  }
0x83: {  	[bflag:$0x3] =	sbarrier.arrive $0xFFFF  }
0x84: {  	_ =	shalt  }

// kernel: kernel.14.cloned.1.call-start
scs
__scs_entry_jumppad:
0x0: {  	(pc) =	sbr.rel $0x88, $3  }
0x1: {  	(tag) =	ssettag $0x0;
	lr =	simm.s32 $0x1  }
0x2: {  	[smem:$0x3F9A] =	sst lr;
	_ =	strace $0xD0000000  }
0x3: {  	_ = 	snop  }
0x4: {  	_ = 	snop  }
0x5: {  	_ = 	snop  }
0x6: {  	_ = 	snop  }
0x7: {  	_ = 	snop  }
__scs_overlays_trampoline_lowered:
0x8: {  	[smem:$0x3FA9] =	sst s0  }
0x9: {  	[smem:$0x3FAA] =	sst s1  }
0xa: {  	[smem:$0x3FAB] =	sst s2  }
0xb: {  	[smem:$0x3FAC] =	sst s3  }
0xc: {  	[smem:$0x3FAD] =	sst s4  }
0xd: {  	[smem:$0x3FAE] =	sst s5  }
0xe: {  	[smem:$0x3FAF] =	sst s6  }
0xf: {  	[smem:$0x3FB0] =	sst s7  }
0x10: {  	[smem:$0x3FB1] =	sst s8  }
0x11: {  	[smem:$0x3FB2] =	sst s9;
	s0 =	simm.s32 @!p0 $0x0  }
0x12: {  	s1 =	sld [smem:$0x3F98];
	s0 =	simm.s32 @p0 $0x1  }
0x13: {  	[smem:$0x3FB3] =	sst s0;
	s0 =	simm.s32 @!p1 $0x0  }
0x14: {  	s2 =	sld [smem:$0x3F97];
	s0 =	simm.s32 @p1 $0x1  }
0x15: {  	[smem:$0x3FB4] =	sst s0;
	s0 =	simm.s32 @!p2 $0x0  }
0x16: {  	s3 =	sld [smem:$0x3FDB];
	s0 =	simm.s32 @p2 $0x1  }
0x17: {  	s4 =	simm.s32 $0x1BF5;
	[smem:$0x3FB6] =	sst s0  }
0x18: {  	s0 =	sld [smem:$0x3F99];
	_ =	swait.ge [sflag:s4], $0x0  }
0x19: {  	s7 =	sld [smem:$0x3F9A]  }
0x1a: {  	s8 =	sadd.s32 $0xFFFFE003, lr  }
0x1b: {  	s9 =	sadd.s32 $0xFFFFFEF7, lr;
	s5 =	simm.s32 $0xFFFFFFFF;
	p2 =	slt.u32 s8, $0xFFFFF086  }
0x1c: {  	p1 =	slt.u32 s9, $0xF7A;
	s5 =	simm.s32 @!p2 $0x0  }
0x1d: {  	s5 =	simm.s32 @p1 $0x1;
	p0 =	seq.s32 s7, s2  }
0x1e: {  	s7 =	smul.u32 @!p0 $0xF7A, s2;
	p2 =	seq.s32 @!p0 s5, $0x0  }
0x1f: {  	s9 =	smul.u32 $0xF7A, s1;
	s8 =	simm.s32 @!p0 $0x1BF5;
	p2 =	por !p2, p0  }
0x20: {  	[sflag:s8] =	ssyncset.s32 @!p0 $0xFFFFF086;
	s6 =	sadd.s32 @!p0 s3, s7;
	s7 =	simm.s32 @!p0 $0x108  }
0x21: {  	s3 =	sadd.s32 s3, s9;
	s6 =	sadd.s32 @!p0 $0x88, s6;
	s7 =	simm.s32 @p2 $0x1082  }
0x22: {  	[simem:s7], [sflag:s8] =	dma.local @!p0 [hbm:s6], $0xF7A  }
0x23: {  	s9 =	sor.u32 $0xD0000000, s2;
	s6 =	simm.s32 $0x108;
	_ =	swait.ge @!p0 [sflag:s8], $0x0  }
0x24: {  	s3 =	sadd.s32 $0x88, s3;
	s6 =	simm.s32 @!p1 $0x1082;
	[sflag:s4] =	ssyncset.s32 $0xFFFFF086  }
0x25: {  	[simem:s6], [sflag:s4] =	dma.local [hbm:s3], $0xF7A  }
0x26: {  	[smem:$0x3F9A] =	sst s1;
	(tag) =	ssettag s2;
	_ =	strace s9  }
0x27: {  	s1 =	sld [smem:$0x3FAA]  }
0x28: {  	s2 =	sld [smem:$0x3FAB]  }
0x29: {  	s4 =	sld [smem:$0x3FAD]  }
0x2a: {  	p0 =	seq.s32 s5, $0x0;
	s5 =	sld [smem:$0x3FAE]  }
0x2b: {  	s6 =	sld [smem:$0x3FAF]  }
0x2c: {  	s7 =	sld [smem:$0x3FB0]  }
0x2d: {  	s3 =	simm.s32 $0x108;
	s8 =	sld [smem:$0x3FB1]  }
0x2e: {  	s3 =	simm.s32 @!p0 $0x1082;
	s9 =	sld [smem:$0x3FB2]  }
0x2f: {  	lr =	sadd.s32 s0, s3;
	s0 =	sld [smem:$0x3FA9]  }
0x30: {  	s3 =	sld [smem:$0x3FAC]  }
0x31: {  	[smem:$0x3FB5] =	sst s10  }
0x32: {  	s10 =	sld [smem:$0x3FB3];
	_ =	sdelay $0x3  }
0x33: {  	p0 =	seq.s32 s10, $0x1;
	s10 =	sld [smem:$0x3FB5];
	_ =	sdelay $0x3  }
0x34: {  	[smem:$0x3FB5] =	sst s10  }
0x35: {  	s10 =	sld [smem:$0x3FB4];
	_ =	sdelay $0x3  }
0x36: {  	p1 =	seq.s32 s10, $0x1;
	s10 =	sld [smem:$0x3FB5];
	_ =	sdelay $0x3  }
0x37: {  	[smem:$0x3FB5] =	sst s10  }
0x38: {  	s10 =	sld [smem:$0x3FB6]  }
0x39: {  	_ = 	snop;
	(pc) =	sbr.ind lr, $3  }
0x3a: {  	_ = 	snop  }
0x3b: {  	_ = 	snop  }
0x3c: {  	p2 =	seq.s32 s10, $0x1;
	s10 =	sld [smem:$0x3FB5]  }
0x3d: {  	_ =	shalt  }
0x3e: {  	_ =	shalt  }
0x3f: {  	_ =	shalt  }
0x40: {  	_ =	shalt  }
0x41: {  	_ =	shalt  }
0x42: {  	_ =	shalt  }
0x43: {  	_ =	shalt  }
0x44: {  	_ =	shalt  }
0x45: {  	_ =	shalt  }
0x46: {  	_ =	shalt  }
0x47: {  	_ =	shalt  }
0x48: {  	_ =	shalt  }
0x49: {  	_ =	shalt  }
0x4a: {  	_ =	shalt  }
0x4b: {  	_ =	shalt  }
0x4c: {  	_ =	shalt  }
0x4d: {  	_ =	shalt  }
0x4e: {  	_ =	shalt  }
0x4f: {  	_ =	shalt  }
0x50: {  	_ =	shalt  }
0x51: {  	_ =	shalt  }
0x52: {  	_ =	shalt  }
0x53: {  	_ =	shalt  }
0x54: {  	_ =	shalt  }
0x55: {  	_ =	shalt  }
0x56: {  	_ =	shalt  }
0x57: {  	_ =	shalt  }
0x58: {  	_ =	shalt  }
0x59: {  	_ =	shalt  }
0x5a: {  	_ =	shalt  }
0x5b: {  	_ =	shalt  }
0x5c: {  	_ =	shalt  }
0x5d: {  	_ =	shalt  }
0x5e: {  	_ =	shalt  }
0x5f: {  	_ =	shalt  }
0x60: {  	_ =	shalt  }
0x61: {  	_ =	shalt  }
0x62: {  	_ =	shalt  }
0x63: {  	_ =	shalt  }
0x64: {  	_ =	shalt  }
0x65: {  	_ =	shalt  }
0x66: {  	_ =	shalt  }
0x67: {  	_ =	shalt  }
0x68: {  	_ =	shalt  }
0x69: {  	_ =	shalt  }
0x6a: {  	_ =	shalt  }
0x6b: {  	_ =	shalt  }
0x6c: {  	_ =	shalt  }
0x6d: {  	_ =	shalt  }
0x6e: {  	_ =	shalt  }
0x6f: {  	_ =	shalt  }
0x70: {  	_ =	shalt  }
0x71: {  	_ =	shalt  }
0x72: {  	_ =	shalt  }
0x73: {  	_ =	shalt  }
0x74: {  	_ =	shalt  }
0x75: {  	_ =	shalt  }
0x76: {  	_ =	shalt  }
0x77: {  	_ =	shalt  }
0x78: {  	_ =	shalt  }
0x79: {  	_ =	shalt  }
0x7a: {  	_ =	shalt  }
0x7b: {  	_ =	shalt  }
0x7c: {  	_ =	shalt  }
0x7d: {  	_ =	shalt  }
0x7e: {  	_ =	shalt  }
0x7f: {  	_ =	shalt  }
0x80: {  	_ =	shalt  }
0x81: {  	_ =	shalt  }
0x82: {  	_ =	shalt  }
0x83: {  	_ =	shalt  }
0x84: {  	_ =	shalt  }
0x85: {  	_ =	shalt  }
0x86: {  	_ =	shalt  }
0x87: {  	_ =	shalt  }
.Lfunc_end0:
.L_simem_size_0:
called_computation.2_lowered:
.L_overlay_start_0:
0x88: {  	s2 =	sld [smem:$0x3FD9]  }
0x89: {  	s3 =	sld [smem:$0x3FFE];
	_ =	sdelay $0x1  }
0x8a: {  	s1 =	srdreg.scid  }
0x8b: {  	s0 =	sand.u32 $0x1, s1  }
0x8c: {  	s16 =	sshll.u32 s0, $0xA;
	s2 =	sadd.s32 s3, s2  }
0x8d: {  	s2 =	sadd.s32 s2, s16  }
0x8e: {  	[smem:$0x3FC1] =	sst s2  }
0x8f: {  	_ = 	snop  }
0x90: {  	(tm) =	ssettm $0x1  }
0x91: {  	s17 =	sld [smem:$0x3FFB];
	_ =	sdelay $0x3  }
0x92: {  	_ =	strace s17  }
0x93: {  	s2 =	sld [smem:$0x3FFC];
	_ =	sdelay $0x3  }
0x94: {  	_ =	strace s2  }
0x95: {  	s2 =	sld [smem:$0x3FFD];
	_ =	sdelay $0x3  }
0x96: {  	_ =	strace s2  }
0x97: {  	_ =	strace $0x8FFFFFFF  }
0x98: {  	s18 =	sld [smem:$0x3FDB];
	_ =	sdelay $0x1  }
0x99: {  	s19 =	simm.s32 $_scs_section_size  }
0x9a: {  	s4 =	simm.s32 $_size__tile_overlayer_lowered;
	s5 =	simm.s32 $_tile_overlayer_lowered  }
0x9b: {  	s22 =	simm.s32 $0x1BFF;
	s21 =	sshll.u32 s5, $0x1;
	s2 =	sadd.s32 s19, s18  }
0x9c: {  	s6 =	simm.s32 $0x0;
	s20 =	sshll.u32 s4, $0x1;
	s4 =	sadd.s32 s21, s2  }
0x9d: {  	[timem:s6], [sflag:s22] =	dma.local [hbm:s4], s20  }
0x9e: {  	_ =	swait.ge [sflag:s22], s20  }
0x9f: {  	s3 =	ssub.s32 $0x0, s20;
	[sflag:s22] =	ssyncset.done $0x0  }
0xa0: {  	[sflag:s22] =	ssyncadd.s32 s3;
	_ =	sdelay $0x1  }
0xa1: {  	s23 =	simm.s32 $0x1B8B  }
0xa2: {  	_ =	swait.ge [sflag:s23], $0x1  }
0xa3: {  	[sflag:s23] =	ssyncset.done $0x0  }
0xa4: {  	s25 =	simm.s32 $0x1B8E;
	s24 =	sld [smem:$0x3FFE];
	[sflag:s23] =	ssyncadd.s32 $0xFFFFFFFF  }
0xa5: {  	s26 =	simm.s32 $execute0_lowered;
	[smem:$0x3FD2] =	sst s25  }
0xa6: {  	s4 =	sshll.u32 s26, $0x1;
	_ =	strace $0x8000004C;
	[dreg:$0x1] =	wrdreg $0xFFFFFFFF  }
0xa7: {  	s28 =	simm.s32 $_size_execute0_lowered;
	s2 =	sadd.s32 s2, s4;
	[dreg:$0x0] =	wrdreg $0x0  }
0xa8: {  	s4 =	sshll.u32 s28, $0x1;
	[dreg:$0x2] =	wrdreg s2  }
0xa9: {  	[dreg:$0x3] =	wrdreg s4  }
0xaa: {  	[dreg:$0x4] =	wrdreg $0xC0  }
0xab: {  	_ =	task [dreg:s6], $0x5FFFF  }
0xac: {  	[dreg:$0x1] =	wrdreg $0xFFFFFFFF  }
0xad: {  	[dreg:$0x0] =	wrdreg $0x60  }
0xae: {  	[dreg:$0x2] =	wrdreg s24  }
0xaf: {  	[dreg:$0x3] =	wrdreg $0x82000  }
0xb0: {  	[dreg:$0x4] =	wrdreg $0x9  }
0xb1: {  	_ =	task.clear_ibuf [dreg:s6], $0x5FFFF;
	_ =	strace $0x9000004C  }
0xb2: {  	s29 =	simm.s32 $0x9;
	_ =	strace $0x8000004E  }
0xb3: {  	_ =	swait.ge [sflag:s29], $0x1  }
0xb4: {  	[sflag:s29] =	ssyncadd.s32 $0xFFFFFFFF  }
0xb5: {  	_ =	strace $0x9000004E  }
0xb6: {  	_ =	sfence  }
0xb7: {  	s30 =	sld [smem:$0x0];
	_ =	sdelay $0x2  }
0xb8: {  	s31 =	sshll.u32 s1, $0xD;
	s1 =	sshrl.u32 s1, $0x2  }
0xb9: {  	s3 =	sand.u32 $0x4000, s31;
	s1 =	sadd.s32 s1, s30  }
0xba: {  	s0 =	sor.u32 s3, s0;
	s1 =	sshll.u32 s1, $0x11  }
0xbb: {  	s0 =	sor.u32 s1, s0  }
0xbc: {  	s0 =	sadd.s32 $0x8F2B, s0  }
0xbd: {  	[sflag:s0] =	ssyncadd.remote.s32 $0x1  }
0xbe: {  	_ =	sfence.sel $0xFFFF  }
0xbf: {  	[dreg:$0x0] =	wrdreg $0xFFFFFFFF;
	(pc) =	sbr.abs _section_cstart, $3  }
0xc0: {  	[dreg:$0x1] =	wrdreg $0xFFFFFFFF  }
0xc1: {  	_ =	task.clear_ibuf [dreg:s6], $0x2FFFF;
	_ =	strace $0x9FFFFFFF  }
0xc2: {  	(tm) =	ssettm $0x7FFFFFFF  }
0xc3: {  	_ =	shalt  }
tec
execute0_lowered:
.L_overlay_start_1:
0x0: {  	(tag) =	ssettag $0x1  }
0x1: {  	s7 =	rddreg [dreg:$0x0]  }
0x2: {  	s2 =	rddreg [dreg:$0x1]  }
0x3: {  	s0 =	rddreg [dreg:$0x2];
	s3 =	simm.s32 $0x0;
	s1 =	stileid.u32  }
0x4: {  	s5 =	srdreg.scid;
	s18 =	simm.s32 $0x80;
	s19 =	simm.s32 $0x200  }
0x5: {  	s20 =	simm.s32 $0x100;
	s21 =	simm.s32 $0x180;
	s22 =	simm.s32 $0x1  }
0x6: {  	s23 =	simm.s32 $0x4200;
	s24 =	simm.s32 $0x0;
	[smem:$0x7FF] =	sst s3  }
0x7: {  	s8 =	smul.u32 $0x14000, s1;
	s4 =	sadd.s32 $0x84600, s7;
	s9 =	sand.u32 $0x1, s5  }
0x8: {  	s5 =	sadd.s32 $0x2000, s7;
	s6 =	sadd.s32 $0x33E00, s7;
	s25 =	smul.u32 $0x50000, s1  }
0x9: {  	s29 =	smul.u32 $0x2780, s1;
	s30 =	sshll.u32 s1, $0x6;
	_ =	strace $0x8000004D  }
0xa: {  	s11 =	smul.u32 $0x140000, s9;
	s12 =	sshll.u32 s9, $0x4;
	s13 =	ssub.s32 $0x2, s9  }
0xb: {  	s9 =	smul.u32 $0x27800, s9;
	s10 =	sshrl.u32 s8, $0x3;
	s12 =	sor.u32 s1, s12  }
0xc: {  	s26 =	sshrl.u32 s13, $0x1;
	s28 =	sshrl.u32 s25, $0x2;
	s10 =	sadd.s32 s10, s7  }
0xd: {  	s8 =	sadd.s32 s8, s11;
	s12 =	smul.u32 $0x2780, s12;
	s13 =	ssub.s32 s13, s26  }
0xe: {  	s16 =	sadd.s32 s28, s2;
	s15 =	sadd.s32 s29, s9;
	s8 =	sshrl.u32 s8, $0x3  }
0xf: {  	s17 =	sadd.s32 $0x80, s15;
	s16 =	sshrl.u32 s16, $0x3;
	s14 =	sadd.s32 s8, s7  }
0x10: {  	s7 =	sadd.s32 $0xBE00, s10;
	s8 =	sor.u32 $0x1C02, s30;
	s31 =	sshrl.u32 s12, $0x3  }
0x11: {  	s12 =	smax.u32 s13, $0x1;
	s17 =	sshrl.u32 s17, $0x3;
	s13 =	sadd.s32 $0x100, s15  }
0x12: {  	s9 =	sadd.s32 s4, s31;
	s10 =	sadd.s32 s5, s31;
	s11 =	sadd.s32 $0x8E400, s14  }
0x13: {  	s14 =	sadd.s32 s17, s5;
	s15 =	sadd.s32 s17, s4;
	s17 =	simm.s32 $0x2  }
.LBB2_1:
0x14: {  	[spmem:s16], [sflag:s8] =	dma.local [hbm:s7], $0x2800  }
0x15: {  	_ =	swait.ge [sflag:s17], $0x2800  }
0x16: {  	[sflag:s17] =	ssyncset.done $0x0  }
0x17: {  	[sflag:s17] =	ssyncadd.s32 $0xFFFFD800  }
0x18: {  	[bflag:$0x0] =	sbarrier.arrive $0xFFFF  }
0x19: {  	[tilespmem:s3], [sflag:$0x2] =	stream.linear.gather [hbm4b:s9+s3], $0x80, $0x38;
	[tilespmem:$0x1C200] =	vst v63  }
0x1a: {  	_ =	swait.ge [sflag:s17], $0x80  }
0x1b: {  	[sflag:s17] =	ssyncset.done $0x0  }
0x1c: {  	[sflag:s17] =	ssyncadd.s32 $0xFFFFFF80  }
0x1d: {  	[tilespmem:s18], [sflag:$0x2] =	stream.linear.gather [hbm4b:s10+s3], $0x80, $0x38;
	[tilespmem:$0x1C200] =	vst v63  }
0x1e: {  	_ =	swait.ge [sflag:s17], $0x80  }
0x1f: {  	[sflag:s17] =	ssyncset.done $0x0  }
0x20: {  	[sflag:s17] =	ssyncadd.s32 $0xFFFFFF80  }
0x21: {  	[tilespmem:s19], [sflag:$0x1] =	stream.indirect.gather [hbm4b:s6+s18], $0x80, s3, s18, $0xb8;
	[tilespmem:$0x1C200] =	vst v63  }
0x22: {  	s25 =	sadd.s32 $0x0, s15  }
0x23: {  	[tilespmem:s20], [sflag:$0x2] =	stream.linear.gather [hbm4b:s25+s3], $0x80, $0x38;
	[tilespmem:$0x1C200] =	vst v63  }
0x24: {  	_ =	swait.ge [sflag:s17], $0x80  }
0x25: {  	[sflag:s17] =	ssyncset.done $0x0  }
0x26: {  	s30 =	sadd.s32 $0x0, s14;
	[sflag:s17] =	ssyncadd.s32 $0xFFFFFF80  }
0x27: {  	[tilespmem:s21], [sflag:$0x2] =	stream.linear.gather [hbm4b:s30+s3], $0x80, $0x38;
	[tilespmem:$0x1C200] =	vst v63  }
0x28: {  	_ =	swait.ge [sflag:s17], $0x80  }
0x29: {  	[sflag:s17] =	ssyncset.done $0x0  }
0x2a: {  	[sflag:s17] =	ssyncadd.s32 $0xFFFFFF80  }
0x2b: {  	_ =	swait.ge [sflag:s22], $0x4000  }
0x2c: {  	[sflag:s22] =	ssyncset.done $0x0  }
0x2d: {  	[sflag:s22] =	ssyncadd.s32 $0xFFFFC000  }
0x2e: {  	[tilespmem:s23], [sflag:$0x1] =	stream.indirect.gather [hbm4b:s6+s18], $0x80, s20, s18, $0xb8;
	[tilespmem:$0x1C200] =	vst v63  }
0x2f: {  	_ = 	snop  }
0x30: {  	[spmem:s2] =	stream.indirect.scatter.add.f32 [tilespmem:s19], [sflag:$0x2], $0x80, s18, s18, $0xb8;
	[tilespmem:$0x1C200] =	vst v63  }
0x31: {  	_ =	swait.ge [sflag:s17], $0x4000  }
0x32: {  	s31 =	sshrl.u32 s13, $0x3;
	[sflag:s17] =	ssyncset.done $0x0  }
0x33: {  	s26 =	sadd.s32 s4, s31;
	[sflag:s17] =	ssyncadd.s32 $0xFFFFC000  }
0x34: {  	[tilespmem:s3], [sflag:$0x2] =	stream.linear.gather [hbm4b:s26+s3], $0x80, $0x38;
	[tilespmem:$0x1C200] =	vst v63  }
0x35: {  	_ =	swait.ge [sflag:s17], $0x80  }
0x36: {  	[sflag:s17] =	ssyncset.done $0x0  }
0x37: {  	s25 =	sadd.s32 s5, s31;
	[sflag:s17] =	ssyncadd.s32 $0xFFFFFF80  }
0x38: {  	[tilespmem:s18], [sflag:$0x2] =	stream.linear.gather [hbm4b:s25+s3], $0x80, $0x38;
	[tilespmem:$0x1C200] =	vst v63  }
0x39: {  	_ =	swait.ge [sflag:s17], $0x80  }
0x3a: {  	[sflag:s17] =	ssyncset.done $0x0  }
0x3b: {  	[sflag:s17] =	ssyncadd.s32 $0xFFFFFF80  }
0x3c: {  	_ =	swait.ge [sflag:s22], $0x4000  }
0x3d: {  	[sflag:s22] =	ssyncset.done $0x0  }
0x3e: {  	[sflag:s22] =	ssyncadd.s32 $0xFFFFC000  }
0x3f: {  	[tilespmem:s19], [sflag:$0x1] =	stream.indirect.gather [hbm4b:s6+s18], $0x80, s3, s18, $0xb8;
	[tilespmem:$0x1C200] =	vst v63  }
0x40: {  	_ = 	snop  }
0x41: {  	[spmem:s2] =	stream.indirect.scatter.add.f32 [tilespmem:s23], [sflag:$0x2], $0x80, s21, s18, $0xb8;
	[tilespmem:$0x1C200] =	vst v63  }
0x42: {  	_ =	swait.ge [sflag:s17], $0x4000  }
0x43: {  	s26 =	smov.u32 s13;
	s25 =	simm.s32 $0x20;
	[sflag:s17] =	ssyncset.done $0x0  }
.LBB2_2:
0x44: {  	p0 =	sne.s32 s25, $0x4C0;
	[sflag:s17] =	ssyncadd.s32 $0xFFFFC000;
	s26 =	sadd.s32 $0x100, s26  }
0x45: {  	s28 =	sadd.s32 s25, s15;
	s29 =	smov.u32 s25;
	s25 =	sadd.s32 $0x20, s25  }
0x46: {  	[tilespmem:s20], [sflag:$0x2] =	stream.linear.gather [hbm4b:s28+s3], $0x80, $0x38;
	[tilespmem:$0x1C200] =	vst v63  }
0x47: {  	_ =	swait.ge [sflag:s17], $0x80  }
0x48: {  	[sflag:s17] =	ssyncset.done $0x0  }
0x49: {  	s28 =	sadd.s32 s29, s14;
	[sflag:s17] =	ssyncadd.s32 $0xFFFFFF80  }
0x4a: {  	[tilespmem:s21], [sflag:$0x2] =	stream.linear.gather [hbm4b:s28+s3], $0x80, $0x38;
	[tilespmem:$0x1C200] =	vst v63  }
0x4b: {  	_ =	swait.ge [sflag:s17], $0x80  }
0x4c: {  	[sflag:s17] =	ssyncset.done $0x0  }
0x4d: {  	[sflag:s17] =	ssyncadd.s32 $0xFFFFFF80  }
0x4e: {  	_ =	swait.ge [sflag:s22], $0x4000  }
0x4f: {  	[sflag:s22] =	ssyncset.done $0x0  }
0x50: {  	[sflag:s22] =	ssyncadd.s32 $0xFFFFC000  }
0x51: {  	[tilespmem:s23], [sflag:$0x1] =	stream.indirect.gather [hbm4b:s6+s18], $0x80, s20, s18, $0xb8;
	[tilespmem:$0x1C200] =	vst v63  }
0x52: {  	_ = 	snop  }
0x53: {  	[spmem:s2] =	stream.indirect.scatter.add.f32 [tilespmem:s19], [sflag:$0x2], $0x80, s18, s18, $0xb8;
	[tilespmem:$0x1C200] =	vst v63  }
0x54: {  	_ =	swait.ge [sflag:s17], $0x4000  }
0x55: {  	s28 =	sshrl.u32 s26, $0x3;
	[sflag:s17] =	ssyncset.done $0x0  }
0x56: {  	s29 =	sadd.s32 s4, s28;
	[sflag:s17] =	ssyncadd.s32 $0xFFFFC000  }
0x57: {  	[tilespmem:s3], [sflag:$0x2] =	stream.linear.gather [hbm4b:s29+s3], $0x80, $0x38;
	[tilespmem:$0x1C200] =	vst v63  }
0x58: {  	_ =	swait.ge [sflag:s17], $0x80  }
0x59: {  	[sflag:s17] =	ssyncset.done $0x0  }
0x5a: {  	s28 =	sadd.s32 s5, s28;
	[sflag:s17] =	ssyncadd.s32 $0xFFFFFF80  }
0x5b: {  	[tilespmem:s18], [sflag:$0x2] =	stream.linear.gather [hbm4b:s28+s3], $0x80, $0x38;
	[tilespmem:$0x1C200] =	vst v63  }
0x5c: {  	_ =	swait.ge [sflag:s17], $0x80  }
0x5d: {  	[sflag:s17] =	ssyncset.done $0x0  }
0x5e: {  	[sflag:s17] =	ssyncadd.s32 $0xFFFFFF80  }
0x5f: {  	_ =	swait.ge [sflag:s22], $0x4000  }
0x60: {  	[sflag:s22] =	ssyncset.done $0x0  }
0x61: {  	[sflag:s22] =	ssyncadd.s32 $0xFFFFC000  }
0x62: {  	[tilespmem:s19], [sflag:$0x1] =	stream.indirect.gather [hbm4b:s6+s18], $0x80, s3, s18, $0xb8;
	[tilespmem:$0x1C200] =	vst v63  }
.Ltmp0:
0x63: {  	_ = 	snop;
	(pc) =	sbr.rel @p0 .LBB2_2-.Ltmp0, $4  }
0x64: {  	_ = 	snop  }
0x65: {  	[spmem:s2] =	stream.indirect.scatter.add.f32 [tilespmem:s23], [sflag:$0x2], $0x80, s21, s18, $0xb8;
	[tilespmem:$0x1C200] =	vst v63  }
0x66: {  	_ =	swait.ge [sflag:s17], $0x4000  }
0x67: {  	[sflag:s17] =	ssyncset.done $0x0  }
0x68: {  	[sflag:s17] =	ssyncadd.s32 $0xFFFFC000  }
0x69: {  	_ =	swait.ge [sflag:s22], $0x4000  }
0x6a: {  	[sflag:s22] =	ssyncset.done $0x0  }
0x6b: {  	[sflag:s22] =	ssyncadd.s32 $0xFFFFC000  }
0x6c: {  	[spmem:s2] =	stream.indirect.scatter.add.f32 [tilespmem:s19], [sflag:$0x2], $0x80, s18, s18, $0xb8;
	[tilespmem:$0x1C200] =	vst v63  }
0x6d: {  	_ =	swait.ge [sflag:s17], $0x4000  }
0x6e: {  	s24 =	sadd.s32 $0x1, s24;
	[sflag:s17] =	ssyncset.done $0x0  }
0x6f: {  	p0 =	sne.s32 s24, s12;
	[sflag:s17] =	ssyncadd.s32 $0xFFFFC000  }
.Ltmp1:
0x70: {  	[bflag:$0x0] =	sbarrier.arrive $0xFFFF;
	(pc) =	sbr.rel @p0 .LBB2_1-.Ltmp1, $4  }
0x71: {  	[hbm:s11], [sflag:s8] =	dma.local [spmem:s16], $0x2800  }
0x72: {  	_ =	swait.ge [sflag:s17], $0x2800  }
0x73: {  	[sflag:s17] =	ssyncset.done $0x0  }
0x74: {  	[sflag:s17] =	ssyncadd.s32 $0xFFFFD800  }
0x75: {  	_ =	sfence.sel $0x180000  }
0x76: {  	[bflag:$0x0] =	sbarrier.arrive $0xFFFF  }
0x77: {  	p0 =	sne.s32 s1, $0x0;
	_ =	strace $0x9000004D  }
0x78: {  	s0 =	sadd.s32 @!p0 $0x100000, s0;
	[bflag:$0x2] =	sbarrier.arrive $0xFFFF  }
0x79: {  	[sflag:s0] =	ssyncadd.tile.s32 @!p0 $0x1;
	_ =	shalt  }
.Lfunc_end2:
_tile_overlayer_lowered:
.L_overlay_start_2:
0x7a: {  	(tag) =	ssettag $0x2  }
0x7b: {  	s0 =	rddreg [dreg:$0x0];
	s2 =	stileid.u32  }
0x7c: {  	s1 =	rddreg [dreg:$0x1];
	p0 =	sne.s32 s2, $0x0  }
0x7d: {  	s3 =	rddreg [dreg:$0x2];
	[bflag:$0x3] =	sbarrier.arrive $0xFFFF;
	s2 =	simm.s32 @!p0 $0x1C02  }
0x7e: {  	[timem:s3], [sflag:s2] =	dma.local @!p0 [hbm:s0], s1  }
0x7f: {  	s0 =	simm.s32 @!p0 $0x2  }
0x80: {  	_ =	swait.ge @!p0 [sflag:s0], s1  }
0x81: {  	s1 =	ssub.s32 @!p0 $0x0, s1;
	[sflag:s0] =	ssyncset.done @!p0 $0x0  }
0x82: {  	[sflag:s0] =	ssyncadd.s32 @!p0 s1  }
0x83: {  	[bflag:$0x3] =	sbarrier.arrive $0xFFFF  }
0x84: {  	_ =	shalt  }

// kernel: kernel.8.cloned.1.call-start
scs
__scs_entry_jumppad:
0x0: {  	(pc) =	sbr.rel $0x88, $3  }
0x1: {  	(tag) =	ssettag $0x0;
	lr =	simm.s32 $0x1  }
0x2: {  	[smem:$0x3F9A] =	sst lr;
	_ =	strace $0xD0000000  }
0x3: {  	_ = 	snop  }
0x4: {  	_ = 	snop  }
0x5: {  	_ = 	snop  }
0x6: {  	_ = 	snop  }
0x7: {  	_ = 	snop  }
__scs_overlays_trampoline_lowered:
0x8: {  	[smem:$0x3FA9] =	sst s0  }
0x9: {  	[smem:$0x3FAA] =	sst s1  }
0xa: {  	[smem:$0x3FAB] =	sst s2  }
0xb: {  	[smem:$0x3FAC] =	sst s3  }
0xc: {  	[smem:$0x3FAD] =	sst s4  }
0xd: {  	[smem:$0x3FAE] =	sst s5  }
0xe: {  	[smem:$0x3FAF] =	sst s6  }
0xf: {  	[smem:$0x3FB0] =	sst s7  }
0x10: {  	[smem:$0x3FB1] =	sst s8  }
0x11: {  	[smem:$0x3FB2] =	sst s9;
	s0 =	simm.s32 @!p0 $0x0  }
0x12: {  	s1 =	sld [smem:$0x3F98];
	s0 =	simm.s32 @p0 $0x1  }
0x13: {  	[smem:$0x3FB3] =	sst s0;
	s0 =	simm.s32 @!p1 $0x0  }
0x14: {  	s2 =	sld [smem:$0x3F97];
	s0 =	simm.s32 @p1 $0x1  }
0x15: {  	[smem:$0x3FB4] =	sst s0;
	s0 =	simm.s32 @!p2 $0x0  }
0x16: {  	s3 =	sld [smem:$0x3FDB];
	s0 =	simm.s32 @p2 $0x1  }
0x17: {  	s4 =	simm.s32 $0x1BF5;
	[smem:$0x3FB6] =	sst s0  }
0x18: {  	s0 =	sld [smem:$0x3F99];
	_ =	swait.ge [sflag:s4], $0x0  }
0x19: {  	s7 =	sld [smem:$0x3F9A]  }
0x1a: {  	s8 =	sadd.s32 $0xFFFFE003, lr  }
0x1b: {  	s9 =	sadd.s32 $0xFFFFFEF7, lr;
	s5 =	simm.s32 $0xFFFFFFFF;
	p2 =	slt.u32 s8, $0xFFFFF086  }
0x1c: {  	p1 =	slt.u32 s9, $0xF7A;
	s5 =	simm.s32 @!p2 $0x0  }
0x1d: {  	s5 =	simm.s32 @p1 $0x1;
	p0 =	seq.s32 s7, s2  }
0x1e: {  	s7 =	smul.u32 @!p0 $0xF7A, s2;
	p2 =	seq.s32 @!p0 s5, $0x0  }
0x1f: {  	s9 =	smul.u32 $0xF7A, s1;
	s8 =	simm.s32 @!p0 $0x1BF5;
	p2 =	por !p2, p0  }
0x20: {  	[sflag:s8] =	ssyncset.s32 @!p0 $0xFFFFF086;
	s6 =	sadd.s32 @!p0 s3, s7;
	s7 =	simm.s32 @!p0 $0x108  }
0x21: {  	s3 =	sadd.s32 s3, s9;
	s6 =	sadd.s32 @!p0 $0x88, s6;
	s7 =	simm.s32 @p2 $0x1082  }
0x22: {  	[simem:s7], [sflag:s8] =	dma.local @!p0 [hbm:s6], $0xF7A  }
0x23: {  	s9 =	sor.u32 $0xD0000000, s2;
	s6 =	simm.s32 $0x108;
	_ =	swait.ge @!p0 [sflag:s8], $0x0  }
0x24: {  	s3 =	sadd.s32 $0x88, s3;
	s6 =	simm.s32 @!p1 $0x1082;
	[sflag:s4] =	ssyncset.s32 $0xFFFFF086  }
0x25: {  	[simem:s6], [sflag:s4] =	dma.local [hbm:s3], $0xF7A  }
0x26: {  	[smem:$0x3F9A] =	sst s1;
	(tag) =	ssettag s2;
	_ =	strace s9  }
0x27: {  	s1 =	sld [smem:$0x3FAA]  }
0x28: {  	s2 =	sld [smem:$0x3FAB]  }
0x29: {  	s4 =	sld [smem:$0x3FAD]  }
0x2a: {  	p0 =	seq.s32 s5, $0x0;
	s5 =	sld [smem:$0x3FAE]  }
0x2b: {  	s6 =	sld [smem:$0x3FAF]  }
0x2c: {  	s7 =	sld [smem:$0x3FB0]  }
0x2d: {  	s3 =	simm.s32 $0x108;
	s8 =	sld [smem:$0x3FB1]  }
0x2e: {  	s3 =	simm.s32 @!p0 $0x1082;
	s9 =	sld [smem:$0x3FB2]  }
0x2f: {  	lr =	sadd.s32 s0, s3;
	s0 =	sld [smem:$0x3FA9]  }
0x30: {  	s3 =	sld [smem:$0x3FAC]  }
0x31: {  	[smem:$0x3FB5] =	sst s10  }
0x32: {  	s10 =	sld [smem:$0x3FB3];
	_ =	sdelay $0x3  }
0x33: {  	p0 =	seq.s32 s10, $0x1;
	s10 =	sld [smem:$0x3FB5];
	_ =	sdelay $0x3  }
0x34: {  	[smem:$0x3FB5] =	sst s10  }
0x35: {  	s10 =	sld [smem:$0x3FB4];
	_ =	sdelay $0x3  }
0x36: {  	p1 =	seq.s32 s10, $0x1;
	s10 =	sld [smem:$0x3FB5];
	_ =	sdelay $0x3  }
0x37: {  	[smem:$0x3FB5] =	sst s10  }
0x38: {  	s10 =	sld [smem:$0x3FB6]  }
0x39: {  	_ = 	snop;
	(pc) =	sbr.ind lr, $3  }
0x3a: {  	_ = 	snop  }
0x3b: {  	_ = 	snop  }
0x3c: {  	p2 =	seq.s32 s10, $0x1;
	s10 =	sld [smem:$0x3FB5]  }
0x3d: {  	_ =	shalt  }
0x3e: {  	_ =	shalt  }
0x3f: {  	_ =	shalt  }
0x40: {  	_ =	shalt  }
0x41: {  	_ =	shalt  }
0x42: {  	_ =	shalt  }
0x43: {  	_ =	shalt  }
0x44: {  	_ =	shalt  }
0x45: {  	_ =	shalt  }
0x46: {  	_ =	shalt  }
0x47: {  	_ =	shalt  }
0x48: {  	_ =	shalt  }
0x49: {  	_ =	shalt  }
0x4a: {  	_ =	shalt  }
0x4b: {  	_ =	shalt  }
0x4c: {  	_ =	shalt  }
0x4d: {  	_ =	shalt  }
0x4e: {  	_ =	shalt  }
0x4f: {  	_ =	shalt  }
0x50: {  	_ =	shalt  }
0x51: {  	_ =	shalt  }
0x52: {  	_ =	shalt  }
0x53: {  	_ =	shalt  }
0x54: {  	_ =	shalt  }
0x55: {  	_ =	shalt  }
0x56: {  	_ =	shalt  }
0x57: {  	_ =	shalt  }
0x58: {  	_ =	shalt  }
0x59: {  	_ =	shalt  }
0x5a: {  	_ =	shalt  }
0x5b: {  	_ =	shalt  }
0x5c: {  	_ =	shalt  }
0x5d: {  	_ =	shalt  }
0x5e: {  	_ =	shalt  }
0x5f: {  	_ =	shalt  }
0x60: {  	_ =	shalt  }
0x61: {  	_ =	shalt  }
0x62: {  	_ =	shalt  }
0x63: {  	_ =	shalt  }
0x64: {  	_ =	shalt  }
0x65: {  	_ =	shalt  }
0x66: {  	_ =	shalt  }
0x67: {  	_ =	shalt  }
0x68: {  	_ =	shalt  }
0x69: {  	_ =	shalt  }
0x6a: {  	_ =	shalt  }
0x6b: {  	_ =	shalt  }
0x6c: {  	_ =	shalt  }
0x6d: {  	_ =	shalt  }
0x6e: {  	_ =	shalt  }
0x6f: {  	_ =	shalt  }
0x70: {  	_ =	shalt  }
0x71: {  	_ =	shalt  }
0x72: {  	_ =	shalt  }
0x73: {  	_ =	shalt  }
0x74: {  	_ =	shalt  }
0x75: {  	_ =	shalt  }
0x76: {  	_ =	shalt  }
0x77: {  	_ =	shalt  }
0x78: {  	_ =	shalt  }
0x79: {  	_ =	shalt  }
0x7a: {  	_ =	shalt  }
0x7b: {  	_ =	shalt  }
0x7c: {  	_ =	shalt  }
0x7d: {  	_ =	shalt  }
0x7e: {  	_ =	shalt  }
0x7f: {  	_ =	shalt  }
0x80: {  	_ =	shalt  }
0x81: {  	_ =	shalt  }
0x82: {  	_ =	shalt  }
0x83: {  	_ =	shalt  }
0x84: {  	_ =	shalt  }
0x85: {  	_ =	shalt  }
0x86: {  	_ =	shalt  }
0x87: {  	_ =	shalt  }
.Lfunc_end0:
.L_simem_size_0:
called_computation_lowered:
.L_overlay_start_0:
0x88: {  	s2 =	sld [smem:$0x3FD9]  }
0x89: {  	s3 =	sld [smem:$0x3FFE];
	_ =	sdelay $0x1  }
0x8a: {  	s1 =	srdreg.scid  }
0x8b: {  	s0 =	sand.u32 $0x1, s1  }
0x8c: {  	s16 =	sshll.u32 s0, $0xA;
	s2 =	sadd.s32 s3, s2  }
0x8d: {  	s2 =	sadd.s32 s2, s16  }
0x8e: {  	[smem:$0x3FC1] =	sst s2  }
0x8f: {  	_ = 	snop  }
0x90: {  	(tm) =	ssettm $0x1  }
0x91: {  	s17 =	sld [smem:$0x3FFB];
	_ =	sdelay $0x3  }
0x92: {  	_ =	strace s17  }
0x93: {  	s2 =	sld [smem:$0x3FFC];
	_ =	sdelay $0x3  }
0x94: {  	_ =	strace s2  }
0x95: {  	s2 =	sld [smem:$0x3FFD];
	_ =	sdelay $0x3  }
0x96: {  	_ =	strace s2  }
0x97: {  	_ =	strace $0x8FFFFFFF  }
0x98: {  	s18 =	sld [smem:$0x3FDB];
	_ =	sdelay $0x1  }
0x99: {  	s19 =	simm.s32 $_scs_section_size  }
0x9a: {  	s4 =	simm.s32 $_size__tile_overlayer_lowered;
	s5 =	simm.s32 $_tile_overlayer_lowered  }
0x9b: {  	s22 =	simm.s32 $0x1BFF;
	s21 =	sshll.u32 s5, $0x1;
	s2 =	sadd.s32 s19, s18  }
0x9c: {  	s6 =	simm.s32 $0x0;
	s20 =	sshll.u32 s4, $0x1;
	s4 =	sadd.s32 s21, s2  }
0x9d: {  	[timem:s6], [sflag:s22] =	dma.local [hbm:s4], s20  }
0x9e: {  	_ =	swait.ge [sflag:s22], s20  }
0x9f: {  	s3 =	ssub.s32 $0x0, s20;
	[sflag:s22] =	ssyncset.done $0x0  }
0xa0: {  	[sflag:s22] =	ssyncadd.s32 s3;
	_ =	sdelay $0x1  }
0xa1: {  	s23 =	simm.s32 $0x1B8B  }
0xa2: {  	_ =	swait.ge [sflag:s23], $0x1  }
0xa3: {  	[sflag:s23] =	ssyncset.done $0x0  }
0xa4: {  	s25 =	simm.s32 $0x1B8E;
	s24 =	sld [smem:$0x3FFE];
	[sflag:s23] =	ssyncadd.s32 $0xFFFFFFFF  }
0xa5: {  	s26 =	simm.s32 $execute0_lowered;
	[smem:$0x3FD2] =	sst s25  }
0xa6: {  	s4 =	sshll.u32 s26, $0x1;
	_ =	strace $0x80000046;
	[dreg:$0x1] =	wrdreg $0xFFFFFFFF  }
0xa7: {  	s28 =	simm.s32 $_size_execute0_lowered;
	s2 =	sadd.s32 s2, s4;
	[dreg:$0x0] =	wrdreg $0x0  }
0xa8: {  	s4 =	sshll.u32 s28, $0x1;
	[dreg:$0x2] =	wrdreg s2  }
0xa9: {  	[dreg:$0x3] =	wrdreg s4  }
0xaa: {  	[dreg:$0x4] =	wrdreg $0xC0  }
0xab: {  	_ =	task [dreg:s6], $0x5FFFF  }
0xac: {  	[dreg:$0x1] =	wrdreg $0xFFFFFFFF  }
0xad: {  	[dreg:$0x0] =	wrdreg $0x60  }
0xae: {  	[dreg:$0x2] =	wrdreg s24  }
0xaf: {  	[dreg:$0x3] =	wrdreg $0x40800  }
0xb0: {  	[dreg:$0x4] =	wrdreg $0x9  }
0xb1: {  	_ =	task.clear_ibuf [dreg:s6], $0x5FFFF;
	_ =	strace $0x90000046  }
0xb2: {  	s29 =	simm.s32 $0x9;
	_ =	strace $0x80000048  }
0xb3: {  	_ =	swait.ge [sflag:s29], $0x1  }
0xb4: {  	[sflag:s29] =	ssyncadd.s32 $0xFFFFFFFF  }
0xb5: {  	_ =	strace $0x90000048  }
0xb6: {  	_ =	sfence  }
0xb7: {  	s30 =	sld [smem:$0x0];
	_ =	sdelay $0x2  }
0xb8: {  	s31 =	sshll.u32 s1, $0xD;
	s1 =	sshrl.u32 s1, $0x2  }
0xb9: {  	s3 =	sand.u32 $0x4000, s31;
	s1 =	sadd.s32 s1, s30  }
0xba: {  	s0 =	sor.u32 s3, s0;
	s1 =	sshll.u32 s1, $0x11  }
0xbb: {  	s0 =	sor.u32 s1, s0  }
0xbc: {  	s0 =	sadd.s32 $0x8F2B, s0  }
0xbd: {  	[sflag:s0] =	ssyncadd.remote.s32 $0x1  }
0xbe: {  	_ =	sfence.sel $0xFFFF  }
0xbf: {  	[dreg:$0x0] =	wrdreg $0xFFFFFFFF;
	(pc) =	sbr.abs _section_cstart, $3  }
0xc0: {  	[dreg:$0x1] =	wrdreg $0xFFFFFFFF  }
0xc1: {  	_ =	task.clear_ibuf [dreg:s6], $0x2FFFF;
	_ =	strace $0x9FFFFFFF  }
0xc2: {  	(tm) =	ssettm $0x7FFFFFFF  }
0xc3: {  	_ =	shalt  }
tec
execute0_lowered:
.L_overlay_start_1:
0x0: {  	(tag) =	ssettag $0x1  }
0x1: {  	s5 =	rddreg [dreg:$0x0];
	s1 =	stileid.u32  }
0x2: {  	s0 =	srdreg.scid;
	s7 =	smul.u32 $0x14000, s1  }
0x3: {  	s2 =	rddreg [dreg:$0x1];
	s3 =	simm.s32 $0x0;
	s26 =	smul.u32 $0x50000, s1  }
0x4: {  	s6 =	sand.u32 $0x1, s0;
	s0 =	rddreg [dreg:$0x2];
	s30 =	smul.u32 $0x4F0, s1  }
0x5: {  	s13 =	simm.s32 $0x0;
	[smem:$0x7FF] =	sst s3;
	s4 =	smul.u32 $0x4F00, s6  }
0x6: {  	s31 =	sshll.u32 s1, $0x6;
	s8 =	smul.u32 $0x140000, s6;
	s6 =	ssub.s32 $0x2, s6  }
0x7: {  	_ =	strace $0x80000047;
	s10 =	sshrl.u32 s7, $0x3;
	s28 =	sshrl.u32 s6, $0x1  }
0x8: {  	s29 =	sshrl.u32 s26, $0x2;
	s9 =	sadd.s32 s4, s5;
	s4 =	sadd.s32 $0x33E00, s5  }
0x9: {  	s7 =	sadd.s32 s7, s8;
	s10 =	sadd.s32 s10, s5;
	s11 =	ssub.s32 s6, s28  }
0xa: {  	s12 =	sadd.s32 s29, s2;
	s6 =	sor.u32 $0x1C01, s31;
	s7 =	sshrl.u32 s7, $0x3  }
0xb: {  	s9 =	sadd.s32 s30, s9;
	s8 =	smax.u32 s11, $0x1;
	s11 =	simm.s32 $0x1  }
0xc: {  	s7 =	sadd.s32 s7, s5;
	s5 =	sadd.s32 $0xBE00, s10;
	s9 =	sadd.s32 $0x2000, s9  }
0xd: {  	s10 =	sshrl.u32 s12, $0x3;
	s12 =	simm.s32 $0x80;
	s7 =	sadd.s32 $0x34600, s7  }
.LBB2_1:
0xe: {  	[spmem:s10], [sflag:s6] =	dma.local [hbm:s5], $0x2800  }
0xf: {  	_ =	swait.ge [sflag:s11], $0x2800  }
0x10: {  	[sflag:s11] =	ssyncset.done $0x0  }
0x11: {  	[sflag:s11] =	ssyncadd.s32 $0xFFFFD800  }
0x12: {  	[tilespmem:s12], [sflag:$0x1] =	stream.linear.gather [hbm4b:s4+s3], $0x4000, $0x38;
	[tilespmem:$0x18080] =	vst v63  }
0x13: {  	_ =	swait.ge [sflag:s11], $0x4000  }
0x14: {  	[sflag:s11] =	ssyncset.done $0x0  }
0x15: {  	[sflag:s11] =	ssyncadd.s32 $0xFFFFC000  }
0x16: {  	s14 =	sadd.s32 $0x0, s9;
	[bflag:$0x0] =	sbarrier.arrive $0xFFFF  }
0x17: {  	[tilespmem:s3], [sflag:$0x1] =	stream.linear.gather [hbm4b:s14+s3], $0x80, $0x38;
	[tilespmem:$0x18080] =	vst v63  }
0x18: {  	_ =	swait.ge [sflag:s11], $0x80  }
0x19: {  	[sflag:s11] =	ssyncset.done $0x0  }
0x1a: {  	[sflag:s11] =	ssyncadd.s32 $0xFFFFFF80  }
0x1b: {  	[spmem:s2] =	stream.indirect.scatter.add.f32 [tilespmem:s12], [sflag:$0x1], $0x80, s3, s12, $0xb8;
	[tilespmem:$0x18080] =	vst v63  }
0x1c: {  	_ =	swait.ge [sflag:s11], $0x4000  }
0x1d: {  	s15 =	simm.s32 $0x20;
	s14 =	simm.s32 $0x10;
	[sflag:s11] =	ssyncset.done $0x0  }
.LBB2_2:
0x1e: {  	s16 =	sadd.s32 s14, s9  }
0x1f: {  	[sflag:s11] =	ssyncadd.s32 $0xFFFFC000;
	s14 =	smov.u32 s15;
	s17 =	sadd.s32 $0x10, s15  }
0x20: {  	[tilespmem:s3], [sflag:$0x1] =	stream.linear.gather [hbm4b:s16+s3], $0x80, $0x38;
	[tilespmem:$0x18080] =	vst v63  }
0x21: {  	p0 =	sne.s32 s15, $0x4E0;
	_ =	swait.ge [sflag:s11], $0x80  }
.Ltmp0:
0x22: {  	[sflag:s11] =	ssyncset.done $0x0;
	(pc) =	sbr.rel @p0 .LBB2_2-.Ltmp0, $4  }
0x23: {  	[sflag:s11] =	ssyncadd.s32 $0xFFFFFF80  }
0x24: {  	[spmem:s2] =	stream.indirect.scatter.add.f32 [tilespmem:s12], [sflag:$0x1], $0x80, s3, s12, $0xb8;
	[tilespmem:$0x18080] =	vst v63  }
0x25: {  	_ =	swait.ge [sflag:s11], $0x4000  }
0x26: {  	s15 =	smov.u32 s17;
	[sflag:s11] =	ssyncset.done $0x0  }
0x27: {  	s14 =	sadd.s32 s14, s9;
	[sflag:s11] =	ssyncadd.s32 $0xFFFFC000  }
0x28: {  	[tilespmem:s3], [sflag:$0x1] =	stream.linear.gather [hbm4b:s14+s3], $0x80, $0x38;
	[tilespmem:$0x18080] =	vst v63  }
0x29: {  	_ =	swait.ge [sflag:s11], $0x80  }
0x2a: {  	[sflag:s11] =	ssyncset.done $0x0  }
0x2b: {  	[sflag:s11] =	ssyncadd.s32 $0xFFFFFF80  }
0x2c: {  	[spmem:s2] =	stream.indirect.scatter.add.f32 [tilespmem:s12], [sflag:$0x1], $0x80, s3, s12, $0xb8;
	[tilespmem:$0x18080] =	vst v63  }
0x2d: {  	_ =	swait.ge [sflag:s11], $0x4000  }
0x2e: {  	s13 =	sadd.s32 $0x1, s13;
	[sflag:s11] =	ssyncset.done $0x0  }
0x2f: {  	p0 =	sne.s32 s13, s8;
	[sflag:s11] =	ssyncadd.s32 $0xFFFFC000  }
.Ltmp1:
0x30: {  	[bflag:$0x0] =	sbarrier.arrive $0xFFFF;
	(pc) =	sbr.rel @p0 .LBB2_1-.Ltmp1, $4  }
0x31: {  	[hbm:s7], [sflag:s6] =	dma.local [spmem:s10], $0x2800  }
0x32: {  	_ =	swait.ge [sflag:s11], $0x2800  }
0x33: {  	[sflag:s11] =	ssyncset.done $0x0  }
0x34: {  	[sflag:s11] =	ssyncadd.s32 $0xFFFFD800  }
0x35: {  	_ =	sfence.sel $0x180000  }
0x36: {  	[bflag:$0x0] =	sbarrier.arrive $0xFFFF  }
0x37: {  	p0 =	sne.s32 s1, $0x0;
	_ =	strace $0x90000047  }
0x38: {  	s0 =	sadd.s32 @!p0 $0x100000, s0;
	[bflag:$0x2] =	sbarrier.arrive $0xFFFF  }
0x39: {  	[sflag:s0] =	ssyncadd.tile.s32 @!p0 $0x1;
	_ =	shalt  }
.Lfunc_end2:
_tile_overlayer_lowered:
.L_overlay_start_2:
0x3a: {  	(tag) =	ssettag $0x2  }
0x3b: {  	s0 =	rddreg [dreg:$0x0];
	s2 =	stileid.u32  }
0x3c: {  	s1 =	rddreg [dreg:$0x1];
	p0 =	sne.s32 s2, $0x0  }
0x3d: {  	s3 =	rddreg [dreg:$0x2];
	[bflag:$0x3] =	sbarrier.arrive $0xFFFF;
	s2 =	simm.s32 @!p0 $0x1C01  }
0x3e: {  	[timem:s3], [sflag:s2] =	dma.local @!p0 [hbm:s0], s1  }
0x3f: {  	s0 =	simm.s32 @!p0 $0x1  }
0x40: {  	_ =	swait.ge @!p0 [sflag:s0], s1  }
0x41: {  	s1 =	ssub.s32 @!p0 $0x0, s1;
	[sflag:s0] =	ssyncset.done @!p0 $0x0  }
0x42: {  	[sflag:s0] =	ssyncadd.s32 @!p0 s1  }
0x43: {  	[bflag:$0x3] =	sbarrier.arrive $0xFFFF  }
0x44: {  	_ =	shalt  }

</sc_bundles>
